<compile_context>
chip_gen: v7x
topology: tpu7x:2x2x1
jax: 0.10.2.dev20260603
libtpu: 0.0.44.dev20260713+nightly
codegen_flags: <defaults>
</compile_context>

<pallas_src>
import functools

import numpy as np

import jax
import jax.numpy as jnp
from jax import lax
from jax.experimental import pallas as pl
from jax.experimental.pallas import tpu as pltpu
from jax.experimental.pallas import tpu_sc as plsc

N = 10000
E = 320000
F_IN = 128
H = 64
C = 10
G = 128

NC = 2
NS = 16
NW = NC * NS
GRP = 128
GPT = 80
E_PAD = NW * GRP * GPT
N_PAD = 10112

_MESH = plsc.VectorSubcoreMesh(core_axis_name="c", subcore_axis_name="s")



_SC_PARAMS = pltpu.CompilerParams(use_tc_tiling_on_sc=False)


@functools.partial(
    pl.kernel,
    mesh=_MESH,
    compiler_params=_SC_PARAMS,
    out_type=jax.ShapeDtypeStruct((NC, N_PAD, 1), jnp.float32),
    scratch_types=[
        pltpu.VMEM((GPT, GRP), jnp.int32),
        pltpu.VMEM((GRP, 1), jnp.float32),
        pltpu.VMEM_SHARED((N_PAD, 1), jnp.float32),
    ],
)
def _deg_sc(dst_hbm, ones_hbm, zeros_hbm, out_hbm, dstv, onesv, acc):
    c = lax.axis_index("c")
    s = lax.axis_index("s")
    wid = s * NC + c
    zrows = N_PAD // NS
    pltpu.sync_copy(zeros_hbm.at[pl.ds(s * zrows, zrows)],
                    acc.at[pl.ds(s * zrows, zrows)])
    pltpu.sync_copy(dst_hbm.at[pl.ds(wid * GPT, GPT)], dstv)
    pltpu.sync_copy(ones_hbm, onesv)
    plsc.subcore_barrier()

    def body(j, carry):
        pltpu.sync_copy(onesv, acc.at[dstv.at[j]], add=True)
        return carry

    lax.fori_loop(0, GPT, body, 0)
    plsc.subcore_barrier()
    pltpu.sync_copy(acc.at[pl.ds(s * zrows, zrows)],
                    out_hbm.at[c, pl.ds(s * zrows, zrows)])


def _agg_body(src_hbm, dst_hbm, hs_hbm, zeros_hbm, out_hbm,
              srcv, dstv, rows0, rows1, rows2, acc, semg, sems):
    c = lax.axis_index("c")
    s = lax.axis_index("s")
    wid = s * NC + c
    zrows = N_PAD // NS
    pltpu.sync_copy(zeros_hbm.at[pl.ds(s * zrows, zrows)],
                    acc.at[pl.ds(s * zrows, zrows)])
    pltpu.sync_copy(src_hbm.at[pl.ds(wid * GPT, GPT)], srcv)
    pltpu.sync_copy(dst_hbm.at[pl.ds(wid * GPT, GPT)], dstv)
    plsc.subcore_barrier()
    pltpu.async_copy(hs_hbm.at[srcv.at[0]], rows0, semg)
    pltpu.async_copy(hs_hbm.at[srcv.at[1]], rows1, semg)

    def body(j, carry):
        ph = lax.rem(j, 3)
        rbufs = (rows0, rows1, rows2)
        for b in range(3):
            nb = (b + 2) % 3
            pb = (b + 2) % 3

            @pl.when(ph == b)
            def _(b=b):
                pltpu.make_async_copy(hs_hbm.at[srcv.at[j]], rbufs[b],
                                      semg).wait()
                pltpu.async_copy(rbufs[b], acc.at[dstv.at[j]], sems,
                                 add=True)

            @pl.when(jnp.logical_and(ph == b, j >= 1))
            def _(pb=pb):
                pltpu.make_async_copy(rbufs[pb], acc.at[dstv.at[j - 1]],
                                      sems).wait()

            @pl.when(jnp.logical_and(ph == b, j < GPT - 2))
            def _(nb=nb):
                pltpu.async_copy(hs_hbm.at[srcv.at[j + 2]], rbufs[nb], semg)

        return carry

    lax.fori_loop(0, GPT, body, 0)
    lb = (GPT - 1) % 3
    rlast = (rows0, rows1, rows2)[lb]
    pltpu.make_async_copy(rlast, acc.at[dstv.at[GPT - 1]], sems).wait()
    plsc.subcore_barrier()
    pltpu.sync_copy(acc.at[pl.ds(s * zrows, zrows)],
                    out_hbm.at[c, pl.ds(s * zrows, zrows)])


def _make_agg_sc(interpret=False):
    return pl.kernel(
        _agg_body,
        mesh=_MESH,
        compiler_params=_SC_PARAMS,
        out_type=jax.ShapeDtypeStruct((NC, N_PAD, H), jnp.float32),
        scratch_types=[
            pltpu.VMEM((GPT, GRP), jnp.int32),
            pltpu.VMEM((GPT, GRP), jnp.int32),
            pltpu.VMEM((GRP, H), jnp.float32),
            pltpu.VMEM((GRP, H), jnp.float32),
            pltpu.VMEM((GRP, H), jnp.float32),
            pltpu.VMEM_SHARED((N_PAD, H), jnp.float32),
            pltpu.SemaphoreType.DMA,
            pltpu.SemaphoreType.DMA,
        ],
        interpret=interpret,
    )


_agg_sc = _make_agg_sc()



_BLK = 1000


def _tc_scale_body(degp_ref, x_ref, w_ref, dinv_ref, hs_ref):
    deg = degp_ref[0] + degp_ref[1] + 1.0
    dinv = lax.rsqrt(deg)
    h = jnp.dot(x_ref[...], w_ref[...], preferred_element_type=jnp.float32)
    dinv_ref[...] = dinv
    hs_ref[...] = h * dinv


def _tc_scale(deg_parts, x, w1):
    return pl.pallas_call(
        _tc_scale_body,
        grid=(N // _BLK,),
        in_specs=[
            pl.BlockSpec((NC, _BLK, 1), lambda i: (0, i, 0)),
            pl.BlockSpec((_BLK, F_IN), lambda i: (i, 0)),
            pl.BlockSpec((F_IN, H), lambda i: (0, 0)),
        ],
        out_specs=[
            pl.BlockSpec((_BLK, 1), lambda i: (i, 0)),
            pl.BlockSpec((_BLK, H), lambda i: (i, 0)),
        ],
        out_shape=[
            jax.ShapeDtypeStruct((N, 1), jnp.float32),
            jax.ShapeDtypeStruct((N, H), jnp.float32),
        ],
    )(deg_parts, x, w1)


def _tc_mid_body(aggp_ref, hs_ref, dinv_ref, b1_ref, w2_ref, out_ref):
    dinv = dinv_ref[...]
    t = dinv * (aggp_ref[0] + aggp_ref[1] + hs_ref[...]) + b1_ref[...]
    t = jnp.maximum(t, 0.0)
    h2 = jnp.dot(t, w2_ref[...], preferred_element_type=jnp.float32)
    out_ref[...] = h2 * dinv


def _tc_mid(agg_parts, hs1, dinv, b1, w2):
    return pl.pallas_call(
        _tc_mid_body,
        grid=(N // _BLK,),
        in_specs=[
            pl.BlockSpec((NC, _BLK, H), lambda i: (0, i, 0)),
            pl.BlockSpec((_BLK, H), lambda i: (i, 0)),
            pl.BlockSpec((_BLK, 1), lambda i: (i, 0)),
            pl.BlockSpec((1, H), lambda i: (0, 0)),
            pl.BlockSpec((H, H), lambda i: (0, 0)),
        ],
        out_specs=pl.BlockSpec((_BLK, H), lambda i: (i, 0)),
        out_shape=jax.ShapeDtypeStruct((N, H), jnp.float32),
    )(agg_parts, hs1, dinv, b1, w2)


def _tc_head_body(aggp_ref, hs_ref, dinv_ref, b2_ref, batch_ref,
                  wf1_ref, bf1_ref, wf2_ref, bf2_ref, out_ref):
    h3 = dinv_ref[...] * (aggp_ref[0] + aggp_ref[1] + hs_ref[...]) + b2_ref[...]
    h3 = jnp.maximum(h3, 0.0)
    gid = lax.broadcasted_iota(jnp.int32, (G, N), 0)
    oh = jnp.where(gid == batch_ref[...], 1.0, 0.0)
    sums = jnp.dot(oh, h3, preferred_element_type=jnp.float32)
    cnt = jnp.sum(oh, axis=1, keepdims=True)
    pooled = sums / jnp.maximum(cnt, 1.0)
    t = jnp.dot(pooled, wf1_ref[...], preferred_element_type=jnp.float32)
    t = jnp.maximum(t + bf1_ref[...], 0.0)
    logits = jnp.dot(t, wf2_ref[...], preferred_element_type=jnp.float32)
    logits = logits + bf2_ref[...]
    m = jnp.max(logits, axis=1, keepdims=True)
    lse = m + jnp.log(jnp.sum(jnp.exp(logits - m), axis=1, keepdims=True))
    out_ref[...] = logits - lse


def _tc_head(agg_parts, hs2, dinv, b2, batch_row, wf1, bf1, wf2, bf2):
    return pl.pallas_call(
        _tc_head_body,
        grid=(1,),
        in_specs=[
            pl.BlockSpec((NC, N, H), lambda i: (0, 0, 0)),
            pl.BlockSpec((N, H), lambda i: (0, 0)),
            pl.BlockSpec((N, 1), lambda i: (0, 0)),
            pl.BlockSpec((1, H), lambda i: (0, 0)),
            pl.BlockSpec((1, N), lambda i: (0, 0)),
            pl.BlockSpec((H, H), lambda i: (0, 0)),
            pl.BlockSpec((1, H), lambda i: (0, 0)),
            pl.BlockSpec((H, C), lambda i: (0, 0)),
            pl.BlockSpec((1, C), lambda i: (0, 0)),
        ],
        out_specs=pl.BlockSpec((G, C), lambda i: (0, 0)),
        out_shape=jax.ShapeDtypeStruct((G, C), jnp.float32),
    )(agg_parts, hs2, dinv, b2, batch_row, wf1, bf1, wf2, bf2)



def kernel(x, edge_index, batch, W1, b1, W2, b2, Wf1, bf1, Wf2, bf2):
    src = edge_index[0]
    dst = edge_index[1]
    pad = E_PAD - E
    src_p = jnp.concatenate(
        [src, jnp.zeros((pad,), jnp.int32)]).reshape(NW * GPT, GRP)
    dst_p = jnp.concatenate(
        [dst, jnp.full((pad,), N, jnp.int32)]).reshape(NW * GPT, GRP)
    zeros_h = jnp.zeros((N_PAD, H), jnp.float32)
    zeros_1 = jnp.zeros((N_PAD, 1), jnp.float32)
    ones_g = jnp.ones((GRP, 1), jnp.float32)

    deg_parts = _deg_sc(dst_p, ones_g, zeros_1)
    dinv, hs1 = _tc_scale(deg_parts, x, W1)
    agg1 = _agg_sc(src_p, dst_p, hs1, zeros_h)
    hs2 = _tc_mid(agg1, hs1, dinv, b1.reshape(1, H), W2)
    agg2 = _agg_sc(src_p, dst_p, hs2, zeros_h)
    return _tc_head(agg2, hs2, dinv, b2.reshape(1, H),
                    batch.reshape(1, N), Wf1, bf1.reshape(1, H),
                    Wf2, bf2.reshape(1, C))

# --- scband reference (transcript-rebuilt; emitter-appended) ---
"""Pipeline reference for scband-gnn-66022237274493 (READ-ONLY COPY).

The authoritative reference and input builder live on the scoring server;
editing this copy changes nothing except your own understanding.
"""

import jax, jax.numpy as jnp
import numpy as np

N = 10000
E = 320000
F_IN = 128
H = 64
C = 10
G = 128


def setup_inputs(seed: int = 0) -> dict:
    key = jax.random.key(seed)
    ks = jax.random.split(key, 12)
    x = jax.random.normal(ks[0], (N, F_IN), dtype=jnp.float32)
    edge_index = jax.random.randint(ks[1], (2, E), 0, N, dtype=jnp.int32)
    batch = jnp.sort(jax.random.randint(ks[2], (N,), 0, G, dtype=jnp.int32))
    # GCNConv weights (glorot-ish scaling) and biases
    W1 = jax.random.normal(ks[3], (F_IN, H), dtype=jnp.float32) * (1.0 / np.sqrt(F_IN))
    b1 = jnp.zeros((H,), dtype=jnp.float32)
    W2 = jax.random.normal(ks[4], (H, H), dtype=jnp.float32) * (1.0 / np.sqrt(H))
    b2 = jnp.zeros((H,), dtype=jnp.float32)
    Wf1 = jax.random.normal(ks[5], (H, H), dtype=jnp.float32) * (1.0 / np.sqrt(H))
    bf1 = jnp.zeros((H,), dtype=jnp.float32)
    Wf2 = jax.random.normal(ks[6], (H, C), dtype=jnp.float32) * (1.0 / np.sqrt(H))
    bf2 = jnp.zeros((C,), dtype=jnp.float32)
    return {"x": x, "edge_index": edge_index, "batch": batch,
            "W1": W1, "b1": b1, "W2": W2, "b2": b2,
            "Wf1": Wf1, "bf1": bf1, "Wf2": Wf2, "bf2": bf2}


def gcn_conv(x, edge_index, W, b):
    # PyG-style GCNConv: add self-loops, symmetric normalization, sum aggregation
    src = edge_index[0]
    dst = edge_index[1]
    loop = jnp.arange(N, dtype=src.dtype)
    src = jnp.concatenate([src, loop])
    dst = jnp.concatenate([dst, loop])
    deg = jnp.zeros((N,), dtype=jnp.float32).at[dst].add(1.0)
    dinv = jnp.where(deg > 0, 1.0 / jnp.sqrt(deg), 0.0)
    norm = dinv[src] * dinv[dst]
    h = x @ W
    msg = h[src] * norm[:, None]
    out = jnp.zeros((N, W.shape[1]), dtype=jnp.float32).at[dst].add(msg)
    return out + b


def reference(x, edge_index, batch, W1, b1, W2, b2, Wf1, bf1, Wf2, bf2):
    h = jax.nn.relu(gcn_conv(x, edge_index, W1, b1))
    h = jax.nn.relu(gcn_conv(h, edge_index, W2, b2))
    # global_mean_pool over graph ids
    sums = jax.ops.segment_sum(h, batch, num_segments=G)
    cnt = jax.ops.segment_sum(jnp.ones((N,), dtype=jnp.float32), batch, num_segments=G)
    pooled = sums / jnp.maximum(cnt, 1.0)[:, None]
    h = jax.nn.relu(pooled @ Wf1 + bf1)
    logits = h @ Wf2 + bf2
    return jax.nn.log_softmax(logits, axis=1)

if __name__ == "__main__":
    import jax
    _d = setup_inputs()
    print(jax.jit(kernel)(*tuple(_d.values())))

</pallas_src>

<mosaic_0001>
#map = affine_map<(d0, d1) -> (0, 0)>
#map1 = affine_map<(d0, d1) -> (0, 0, 0)>
module attributes {stable_mosaic.version = 14 : i64} {
  func.func @_agg_body(%arg0: i32, %arg1: i32, %arg2: memref<2560x128xi32, #tpu.memory_space<hbm>>, %arg3: memref<2560x128xi32, #tpu.memory_space<hbm>>, %arg4: memref<10000x64xf32, #tpu.memory_space<hbm>>, %arg5: memref<10112x64xf32, #tpu.memory_space<hbm>>, %arg6: memref<2x10112x64xf32, #tpu.memory_space<hbm>>, %arg7: memref<80x128xi32, #tpu.memory_space<vmem>>, %arg8: memref<80x128xi32, #tpu.memory_space<vmem>>, %arg9: memref<128x64xf32, #tpu.memory_space<vmem>>, %arg10: memref<128x64xf32, #tpu.memory_space<vmem>>, %arg11: memref<128x64xf32, #tpu.memory_space<vmem>>, %arg12: memref<10112x64xf32, #tpu.memory_space<vmem_shared>>, %arg13: memref<!tpu.dma_semaphore, #tpu.memory_space<semaphore_mem>>, %arg14: memref<!tpu.dma_semaphore, #tpu.memory_space<semaphore_mem>>) attributes {dimension_semantics = [#tpu.dimension_semantics<core_parallel>, #tpu.dimension_semantics<subcore_parallel>], iteration_bounds = array<i64: 2, 16>, scalar_prefetch = 0 : i64, scratch_operands = 8 : i64, tpu.core_type = #tpu.core_type<sc_vector_subcore>, window_params = [{transform_indices = #map}, {transform_indices = #map}, {transform_indices = #map}, {transform_indices = #map}, {transform_indices = #map1}]} {
    %mul3A = arith.constant 2 : i32
    %mul3A_0 = arith.muli %arg1, %mul3A : i32
    %add3A = arith.addi %mul3A_0, %arg0 : i32
    %mul3A_1 = arith.constant 632 : i32
    %mul3A_2 = arith.muli %arg1, %mul3A_1 : i32
    %mul3A_3 = arith.constant 632 : i32
    %mul3A_4 = arith.muli %arg1, %mul3A_3 : i32
    "tpu.region"() ({
      %run_scoped3A = tpu.sem_alloc : memref<!tpu.dma_semaphore, #tpu.memory_space<semaphore_mem>>
      %dma_start3A_38 = arith.constant 0 : i32
      %dma_start3A_39 = tpu.memref_slice %arg12[%mul3A_4, %dma_start3A_38] : memref<10112x64xf32, #tpu.memory_space<vmem_shared>> -> memref<632x64xf32, #tpu.memory_space<vmem_shared>>
      %dma_start3A_40 = arith.constant 0 : i32
      %dma_start3A_41 = tpu.memref_slice %arg5[%mul3A_2, %dma_start3A_40] : memref<10112x64xf32, #tpu.memory_space<hbm>> -> memref<632x64xf32, #tpu.memory_space<hbm>>
      tpu.enqueue_dma source(%dma_start3A_41 : memref<632x64xf32, #tpu.memory_space<hbm>>) target(%dma_start3A_39 : memref<632x64xf32, #tpu.memory_space<vmem_shared>>) target_semaphore(%run_scoped3A : memref<!tpu.dma_semaphore, #tpu.memory_space<semaphore_mem>>)
      %dma_wait3A_42 = arith.constant 0 : i32
      %dma_wait3A_43 = tpu.memref_slice %arg12[%mul3A_4, %dma_wait3A_42] : memref<10112x64xf32, #tpu.memory_space<vmem_shared>> -> memref<632x64xf32, #tpu.memory_space<vmem_shared>>
      %dma_wait3A_44 = arith.constant 0 : i32
      %dma_wait3A_45 = tpu.memref_slice %arg5[%mul3A_2, %dma_wait3A_44] : memref<10112x64xf32, #tpu.memory_space<hbm>> -> memref<632x64xf32, #tpu.memory_space<hbm>>
      tpu.wait_dma2 semaphore(%run_scoped3A : memref<!tpu.dma_semaphore, #tpu.memory_space<semaphore_mem>>) src(%dma_wait3A_45 : memref<632x64xf32, #tpu.memory_space<hbm>>) dst(%dma_wait3A_43 : memref<632x64xf32, #tpu.memory_space<vmem_shared>>)
      tpu.yield
    }) : () -> ()
    %mul3A_5 = arith.constant 80 : i32
    %mul3A_6 = arith.muli %add3A, %mul3A_5 : i32
    "tpu.region"() ({
      %run_scoped3A = tpu.sem_alloc : memref<!tpu.dma_semaphore, #tpu.memory_space<semaphore_mem>>
      %dma_start3A_38 = arith.constant 0 : i32
      %dma_start3A_39 = tpu.memref_slice %arg2[%mul3A_6, %dma_start3A_38] : memref<2560x128xi32, #tpu.memory_space<hbm>> -> memref<80x128xi32, #tpu.memory_space<hbm>>
      %dma_start3A_40 = arith.constant 0 : i32
      %dma_start3A_41 = tpu.memref_slice %arg2[%mul3A_6, %dma_start3A_40] : memref<2560x128xi32, #tpu.memory_space<hbm>> -> memref<80x128xi32, #tpu.memory_space<hbm>>
      tpu.enqueue_dma source(%dma_start3A_41 : memref<80x128xi32, #tpu.memory_space<hbm>>) target(%arg7 : memref<80x128xi32, #tpu.memory_space<vmem>>) target_semaphore(%run_scoped3A : memref<!tpu.dma_semaphore, #tpu.memory_space<semaphore_mem>>)
      %dma_wait3A_42 = arith.constant 0 : i32
      %dma_wait3A_43 = tpu.memref_slice %arg2[%mul3A_6, %dma_wait3A_42] : memref<2560x128xi32, #tpu.memory_space<hbm>> -> memref<80x128xi32, #tpu.memory_space<hbm>>
      %dma_wait3A_44 = arith.constant 0 : i32
      %dma_wait3A_45 = tpu.memref_slice %arg2[%mul3A_6, %dma_wait3A_44] : memref<2560x128xi32, #tpu.memory_space<hbm>> -> memref<80x128xi32, #tpu.memory_space<hbm>>
      tpu.wait_dma2 semaphore(%run_scoped3A : memref<!tpu.dma_semaphore, #tpu.memory_space<semaphore_mem>>) src(%dma_wait3A_45 : memref<80x128xi32, #tpu.memory_space<hbm>>) dst(%arg7 : memref<80x128xi32, #tpu.memory_space<vmem>>)
      tpu.yield
    }) : () -> ()
    %mul3A_7 = arith.constant 80 : i32
    %mul3A_8 = arith.muli %add3A, %mul3A_7 : i32
    "tpu.region"() ({
      %run_scoped3A = tpu.sem_alloc : memref<!tpu.dma_semaphore, #tpu.memory_space<semaphore_mem>>
      %dma_start3A_38 = arith.constant 0 : i32
      %dma_start3A_39 = tpu.memref_slice %arg3[%mul3A_8, %dma_start3A_38] : memref<2560x128xi32, #tpu.memory_space<hbm>> -> memref<80x128xi32, #tpu.memory_space<hbm>>
      %dma_start3A_40 = arith.constant 0 : i32
      %dma_start3A_41 = tpu.memref_slice %arg3[%mul3A_8, %dma_start3A_40] : memref<2560x128xi32, #tpu.memory_space<hbm>> -> memref<80x128xi32, #tpu.memory_space<hbm>>
      tpu.enqueue_dma source(%dma_start3A_41 : memref<80x128xi32, #tpu.memory_space<hbm>>) target(%arg8 : memref<80x128xi32, #tpu.memory_space<vmem>>) target_semaphore(%run_scoped3A : memref<!tpu.dma_semaphore, #tpu.memory_space<semaphore_mem>>)
      %dma_wait3A_42 = arith.constant 0 : i32
      %dma_wait3A_43 = tpu.memref_slice %arg3[%mul3A_8, %dma_wait3A_42] : memref<2560x128xi32, #tpu.memory_space<hbm>> -> memref<80x128xi32, #tpu.memory_space<hbm>>
      %dma_wait3A_44 = arith.constant 0 : i32
      %dma_wait3A_45 = tpu.memref_slice %arg3[%mul3A_8, %dma_wait3A_44] : memref<2560x128xi32, #tpu.memory_space<hbm>> -> memref<80x128xi32, #tpu.memory_space<hbm>>
      tpu.wait_dma2 semaphore(%run_scoped3A : memref<!tpu.dma_semaphore, #tpu.memory_space<semaphore_mem>>) src(%dma_wait3A_45 : memref<80x128xi32, #tpu.memory_space<hbm>>) dst(%arg8 : memref<80x128xi32, #tpu.memory_space<vmem>>)
      tpu.yield
    }) : () -> ()
    %barrier3A = arith.constant 0 : index
    tpu.barrier barrier_id(%barrier3A)
    %dma_start3A = arith.constant 0 : i32
    %dma_start3A_9 = arith.constant 0 : i32
    %dma_start3A_10 = tpu.memref_slice %arg7[%dma_start3A, %dma_start3A_9] : memref<80x128xi32, #tpu.memory_space<vmem>> -> memref<1x128xi32, #tpu.memory_space<vmem>>
    %dma_start3A_11 = tpu.memref_squeeze %dma_start3A_10 : memref<1x128xi32, #tpu.memory_space<vmem>> -> memref<128xi32, #tpu.memory_space<vmem>>
    %dma_start3A_12 = arith.constant 0 : i32
    %dma_start3A_13 = arith.constant 0 : i32
    %dma_start3A_14 = tpu.memref_slice %arg4[%dma_start3A_12, %dma_start3A_13] : memref<10000x64xf32, #tpu.memory_space<hbm>> -> memref<10000x64xf32, #tpu.memory_space<hbm>>
    tpu.enqueue_indirect_dma source(%dma_start3A_14 : memref<10000x64xf32, #tpu.memory_space<hbm>>) target(%arg9 : memref<128x64xf32, #tpu.memory_space<vmem>>) offsets(%dma_start3A_11 : memref<128xi32, #tpu.memory_space<vmem>>) semaphore(%arg13 : memref<!tpu.dma_semaphore, #tpu.memory_space<semaphore_mem>>)
    %dma_start3A_15 = arith.constant 1 : i32
    %dma_start3A_16 = arith.constant 0 : i32
    %dma_start3A_17 = tpu.memref_slice %arg7[%dma_start3A_15, %dma_start3A_16] : memref<80x128xi32, #tpu.memory_space<vmem>> -> memref<1x128xi32, #tpu.memory_space<vmem>>
    %dma_start3A_18 = tpu.memref_squeeze %dma_start3A_17 : memref<1x128xi32, #tpu.memory_space<vmem>> -> memref<128xi32, #tpu.memory_space<vmem>>
    %dma_start3A_19 = arith.constant 0 : i32
    %dma_start3A_20 = arith.constant 0 : i32
    %dma_start3A_21 = tpu.memref_slice %arg4[%dma_start3A_19, %dma_start3A_20] : memref<10000x64xf32, #tpu.memory_space<hbm>> -> memref<10000x64xf32, #tpu.memory_space<hbm>>
    tpu.enqueue_indirect_dma source(%dma_start3A_21 : memref<10000x64xf32, #tpu.memory_space<hbm>>) target(%arg10 : memref<128x64xf32, #tpu.memory_space<vmem>>) offsets(%dma_start3A_18 : memref<128xi32, #tpu.memory_space<vmem>>) semaphore(%arg13 : memref<!tpu.dma_semaphore, #tpu.memory_space<semaphore_mem>>)
    %scan3A = arith.constant 0 : i32
    %scan3A_22 = arith.constant 0 : i32
    %scan3A_23 = arith.constant 80 : i32
    %scan3A_24 = arith.addi %scan3A_22, %scan3A_23 : i32
    %scan3A_25 = arith.constant 1 : i32
    scf.for %scan3A_38 = %scan3A_22 to %scan3A_24 step %scan3A_25  : i32 {
      %rem3A = arith.constant 3 : i32
      %rem3A_39 = arith.remsi %scan3A_38, %rem3A : i32
      %eq3A = arith.constant 0 : i32
      %eq3A_40 = arith.cmpi eq, %rem3A_39, %eq3A : i32
      %convert_element_type3A = arith.extui %eq3A_40 : i1 to i32
      %cond3A = arith.constant 0 : i32
      %cond3A_41 = arith.cmpi ne, %convert_element_type3A, %cond3A : i32
      scf.if %cond3A_41 {
        %dma_wait3A_97 = arith.constant 0 : i32
        %dma_wait3A_98 = tpu.memref_slice %arg7[%scan3A_38, %dma_wait3A_97] : memref<80x128xi32, #tpu.memory_space<vmem>> -> memref<1x128xi32, #tpu.memory_space<vmem>>
        %dma_wait3A_99 = tpu.memref_squeeze %dma_wait3A_98 : memref<1x128xi32, #tpu.memory_space<vmem>> -> memref<128xi32, #tpu.memory_space<vmem>>
        %dma_wait3A_100 = arith.constant 0 : i32
        %dma_wait3A_101 = arith.constant 0 : i32
        %dma_wait3A_102 = tpu.memref_slice %arg4[%dma_wait3A_100, %dma_wait3A_101] : memref<10000x64xf32, #tpu.memory_space<hbm>> -> memref<10000x64xf32, #tpu.memory_space<hbm>>
        tpu.wait_indirect_dma semaphore(%arg13 : memref<!tpu.dma_semaphore, #tpu.memory_space<semaphore_mem>>) src(%dma_wait3A_102 : memref<10000x64xf32, #tpu.memory_space<hbm>>) dst(%arg9 : memref<128x64xf32, #tpu.memory_space<vmem>>)
        %dma_start3A_103 = arith.constant 0 : i32
        %dma_start3A_104 = tpu.memref_slice %arg8[%scan3A_38, %dma_start3A_103] : memref<80x128xi32, #tpu.memory_space<vmem>> -> memref<1x128xi32, #tpu.memory_space<vmem>>
        %dma_start3A_105 = tpu.memref_squeeze %dma_start3A_104 : memref<1x128xi32, #tpu.memory_space<vmem>> -> memref<128xi32, #tpu.memory_space<vmem>>
        %dma_start3A_106 = arith.constant 0 : i32
        %dma_start3A_107 = arith.constant 0 : i32
        %dma_start3A_108 = tpu.memref_slice %arg12[%dma_start3A_106, %dma_start3A_107] : memref<10112x64xf32, #tpu.memory_space<vmem_shared>> -> memref<10112x64xf32, #tpu.memory_space<vmem_shared>>
        tpu.enqueue_indirect_dma source(%arg9 : memref<128x64xf32, #tpu.memory_space<vmem>>) target(%dma_start3A_108 : memref<10112x64xf32, #tpu.memory_space<vmem_shared>>) offsets(%dma_start3A_105 : memref<128xi32, #tpu.memory_space<vmem>>) semaphore(%arg14 : memref<!tpu.dma_semaphore, #tpu.memory_space<semaphore_mem>>) {add = true}
      } else {
      }
      %eq3A_42 = arith.constant 0 : i32
      %eq3A_43 = arith.cmpi eq, %rem3A_39, %eq3A_42 : i32
      %ge3A = arith.constant 1 : i32
      %ge3A_44 = arith.cmpi sge, %scan3A_38, %ge3A : i32
      %and3A = arith.andi %eq3A_43, %ge3A_44 : i1
      %convert_element_type3A_45 = arith.extui %and3A : i1 to i32
      %cond3A_46 = arith.constant 0 : i32
      %cond3A_47 = arith.cmpi ne, %convert_element_type3A_45, %cond3A_46 : i32
      scf.if %cond3A_47 {
        %sub3A = arith.constant 1 : i32
        %sub3A_97 = arith.subi %scan3A_38, %sub3A : i32
        %dma_wait3A_98 = arith.constant 0 : i32
        %dma_wait3A_99 = tpu.memref_slice %arg8[%sub3A_97, %dma_wait3A_98] : memref<80x128xi32, #tpu.memory_space<vmem>> -> memref<1x128xi32, #tpu.memory_space<vmem>>
        %dma_wait3A_100 = tpu.memref_squeeze %dma_wait3A_99 : memref<1x128xi32, #tpu.memory_space<vmem>> -> memref<128xi32, #tpu.memory_space<vmem>>
        %dma_wait3A_101 = arith.constant 0 : i32
        %dma_wait3A_102 = arith.constant 0 : i32
        %dma_wait3A_103 = tpu.memref_slice %arg12[%dma_wait3A_101, %dma_wait3A_102] : memref<10112x64xf32, #tpu.memory_space<vmem_shared>> -> memref<10112x64xf32, #tpu.memory_space<vmem_shared>>
        tpu.wait_indirect_dma semaphore(%arg14 : memref<!tpu.dma_semaphore, #tpu.memory_space<semaphore_mem>>) src(%arg11 : memref<128x64xf32, #tpu.memory_space<vmem>>) dst(%dma_wait3A_103 : memref<10112x64xf32, #tpu.memory_space<vmem_shared>>)
      } else {
      }
      %eq3A_48 = arith.constant 0 : i32
      %eq3A_49 = arith.cmpi eq, %rem3A_39, %eq3A_48 : i32
      %lt3A = arith.constant 78 : i32
      %lt3A_50 = arith.cmpi slt, %scan3A_38, %lt3A : i32
      %and3A_51 = arith.andi %eq3A_49, %lt3A_50 : i1
      %convert_element_type3A_52 = arith.extui %and3A_51 : i1 to i32
      %cond3A_53 = arith.constant 0 : i32
      %cond3A_54 = arith.cmpi ne, %convert_element_type3A_52, %cond3A_53 : i32
      scf.if %cond3A_54 {
        %add3A_97 = arith.constant 2 : i32
        %add3A_98 = arith.addi %scan3A_38, %add3A_97 : i32
        %dma_start3A_99 = arith.constant 0 : i32
        %dma_start3A_100 = tpu.memref_slice %arg7[%add3A_98, %dma_start3A_99] : memref<80x128xi32, #tpu.memory_space<vmem>> -> memref<1x128xi32, #tpu.memory_space<vmem>>
        %dma_start3A_101 = tpu.memref_squeeze %dma_start3A_100 : memref<1x128xi32, #tpu.memory_space<vmem>> -> memref<128xi32, #tpu.memory_space<vmem>>
        %dma_start3A_102 = arith.constant 0 : i32
        %dma_start3A_103 = arith.constant 0 : i32
        %dma_start3A_104 = tpu.memref_slice %arg4[%dma_start3A_102, %dma_start3A_103] : memref<10000x64xf32, #tpu.memory_space<hbm>> -> memref<10000x64xf32, #tpu.memory_space<hbm>>
        tpu.enqueue_indirect_dma source(%dma_start3A_104 : memref<10000x64xf32, #tpu.memory_space<hbm>>) target(%arg11 : memref<128x64xf32, #tpu.memory_space<vmem>>) offsets(%dma_start3A_101 : memref<128xi32, #tpu.memory_space<vmem>>) semaphore(%arg13 : memref<!tpu.dma_semaphore, #tpu.memory_space<semaphore_mem>>)
      } else {
      }
      %eq3A_55 = arith.constant 1 : i32
      %eq3A_56 = arith.cmpi eq, %rem3A_39, %eq3A_55 : i32
      %convert_element_type3A_57 = arith.extui %eq3A_56 : i1 to i32
      %cond3A_58 = arith.constant 0 : i32
      %cond3A_59 = arith.cmpi ne, %convert_element_type3A_57, %cond3A_58 : i32
      scf.if %cond3A_59 {
        %dma_wait3A_97 = arith.constant 0 : i32
        %dma_wait3A_98 = tpu.memref_slice %arg7[%scan3A_38, %dma_wait3A_97] : memref<80x128xi32, #tpu.memory_space<vmem>> -> memref<1x128xi32, #tpu.memory_space<vmem>>
        %dma_wait3A_99 = tpu.memref_squeeze %dma_wait3A_98 : memref<1x128xi32, #tpu.memory_space<vmem>> -> memref<128xi32, #tpu.memory_space<vmem>>
        %dma_wait3A_100 = arith.constant 0 : i32
        %dma_wait3A_101 = arith.constant 0 : i32
        %dma_wait3A_102 = tpu.memref_slice %arg4[%dma_wait3A_100, %dma_wait3A_101] : memref<10000x64xf32, #tpu.memory_space<hbm>> -> memref<10000x64xf32, #tpu.memory_space<hbm>>
        tpu.wait_indirect_dma semaphore(%arg13 : memref<!tpu.dma_semaphore, #tpu.memory_space<semaphore_mem>>) src(%dma_wait3A_102 : memref<10000x64xf32, #tpu.memory_space<hbm>>) dst(%arg10 : memref<128x64xf32, #tpu.memory_space<vmem>>)
        %dma_start3A_103 = arith.constant 0 : i32
        %dma_start3A_104 = tpu.memref_slice %arg8[%scan3A_38, %dma_start3A_103] : memref<80x128xi32, #tpu.memory_space<vmem>> -> memref<1x128xi32, #tpu.memory_space<vmem>>
        %dma_start3A_105 = tpu.memref_squeeze %dma_start3A_104 : memref<1x128xi32, #tpu.memory_space<vmem>> -> memref<128xi32, #tpu.memory_space<vmem>>
        %dma_start3A_106 = arith.constant 0 : i32
        %dma_start3A_107 = arith.constant 0 : i32
        %dma_start3A_108 = tpu.memref_slice %arg12[%dma_start3A_106, %dma_start3A_107] : memref<10112x64xf32, #tpu.memory_space<vmem_shared>> -> memref<10112x64xf32, #tpu.memory_space<vmem_shared>>
        tpu.enqueue_indirect_dma source(%arg10 : memref<128x64xf32, #tpu.memory_space<vmem>>) target(%dma_start3A_108 : memref<10112x64xf32, #tpu.memory_space<vmem_shared>>) offsets(%dma_start3A_105 : memref<128xi32, #tpu.memory_space<vmem>>) semaphore(%arg14 : memref<!tpu.dma_semaphore, #tpu.memory_space<semaphore_mem>>) {add = true}
      } else {
      }
      %eq3A_60 = arith.constant 1 : i32
      %eq3A_61 = arith.cmpi eq, %rem3A_39, %eq3A_60 : i32
      %ge3A_62 = arith.constant 1 : i32
      %ge3A_63 = arith.cmpi sge, %scan3A_38, %ge3A_62 : i32
      %and3A_64 = arith.andi %eq3A_61, %ge3A_63 : i1
      %convert_element_type3A_65 = arith.extui %and3A_64 : i1 to i32
      %cond3A_66 = arith.constant 0 : i32
      %cond3A_67 = arith.cmpi ne, %convert_element_type3A_65, %cond3A_66 : i32
      scf.if %cond3A_67 {
        %sub3A = arith.constant 1 : i32
        %sub3A_97 = arith.subi %scan3A_38, %sub3A : i32
        %dma_wait3A_98 = arith.constant 0 : i32
        %dma_wait3A_99 = tpu.memref_slice %arg8[%sub3A_97, %dma_wait3A_98] : memref<80x128xi32, #tpu.memory_space<vmem>> -> memref<1x128xi32, #tpu.memory_space<vmem>>
        %dma_wait3A_100 = tpu.memref_squeeze %dma_wait3A_99 : memref<1x128xi32, #tpu.memory_space<vmem>> -> memref<128xi32, #tpu.memory_space<vmem>>
        %dma_wait3A_101 = arith.constant 0 : i32
        %dma_wait3A_102 = arith.constant 0 : i32
        %dma_wait3A_103 = tpu.memref_slice %arg12[%dma_wait3A_101, %dma_wait3A_102] : memref<10112x64xf32, #tpu.memory_space<vmem_shared>> -> memref<10112x64xf32, #tpu.memory_space<vmem_shared>>
        tpu.wait_indirect_dma semaphore(%arg14 : memref<!tpu.dma_semaphore, #tpu.memory_space<semaphore_mem>>) src(%arg9 : memref<128x64xf32, #tpu.memory_space<vmem>>) dst(%dma_wait3A_103 : memref<10112x64xf32, #tpu.memory_space<vmem_shared>>)
      } else {
      }
      %eq3A_68 = arith.constant 1 : i32
      %eq3A_69 = arith.cmpi eq, %rem3A_39, %eq3A_68 : i32
      %lt3A_70 = arith.constant 78 : i32
      %lt3A_71 = arith.cmpi slt, %scan3A_38, %lt3A_70 : i32
      %and3A_72 = arith.andi %eq3A_69, %lt3A_71 : i1
      %convert_element_type3A_73 = arith.extui %and3A_72 : i1 to i32
      %cond3A_74 = arith.constant 0 : i32
      %cond3A_75 = arith.cmpi ne, %convert_element_type3A_73, %cond3A_74 : i32
      scf.if %cond3A_75 {
        %add3A_97 = arith.constant 2 : i32
        %add3A_98 = arith.addi %scan3A_38, %add3A_97 : i32
        %dma_start3A_99 = arith.constant 0 : i32
        %dma_start3A_100 = tpu.memref_slice %arg7[%add3A_98, %dma_start3A_99] : memref<80x128xi32, #tpu.memory_space<vmem>> -> memref<1x128xi32, #tpu.memory_space<vmem>>
        %dma_start3A_101 = tpu.memref_squeeze %dma_start3A_100 : memref<1x128xi32, #tpu.memory_space<vmem>> -> memref<128xi32, #tpu.memory_space<vmem>>
        %dma_start3A_102 = arith.constant 0 : i32
        %dma_start3A_103 = arith.constant 0 : i32
        %dma_start3A_104 = tpu.memref_slice %arg4[%dma_start3A_102, %dma_start3A_103] : memref<10000x64xf32, #tpu.memory_space<hbm>> -> memref<10000x64xf32, #tpu.memory_space<hbm>>
        tpu.enqueue_indirect_dma source(%dma_start3A_104 : memref<10000x64xf32, #tpu.memory_space<hbm>>) target(%arg9 : memref<128x64xf32, #tpu.memory_space<vmem>>) offsets(%dma_start3A_101 : memref<128xi32, #tpu.memory_space<vmem>>) semaphore(%arg13 : memref<!tpu.dma_semaphore, #tpu.memory_space<semaphore_mem>>)
      } else {
      }
      %eq3A_76 = arith.constant 2 : i32
      %eq3A_77 = arith.cmpi eq, %rem3A_39, %eq3A_76 : i32
      %convert_element_type3A_78 = arith.extui %eq3A_77 : i1 to i32
      %cond3A_79 = arith.constant 0 : i32
      %cond3A_80 = arith.cmpi ne, %convert_element_type3A_78, %cond3A_79 : i32
      scf.if %cond3A_80 {
        %dma_wait3A_97 = arith.constant 0 : i32
        %dma_wait3A_98 = tpu.memref_slice %arg7[%scan3A_38, %dma_wait3A_97] : memref<80x128xi32, #tpu.memory_space<vmem>> -> memref<1x128xi32, #tpu.memory_space<vmem>>
        %dma_wait3A_99 = tpu.memref_squeeze %dma_wait3A_98 : memref<1x128xi32, #tpu.memory_space<vmem>> -> memref<128xi32, #tpu.memory_space<vmem>>
        %dma_wait3A_100 = arith.constant 0 : i32
        %dma_wait3A_101 = arith.constant 0 : i32
        %dma_wait3A_102 = tpu.memref_slice %arg4[%dma_wait3A_100, %dma_wait3A_101] : memref<10000x64xf32, #tpu.memory_space<hbm>> -> memref<10000x64xf32, #tpu.memory_space<hbm>>
        tpu.wait_indirect_dma semaphore(%arg13 : memref<!tpu.dma_semaphore, #tpu.memory_space<semaphore_mem>>) src(%dma_wait3A_102 : memref<10000x64xf32, #tpu.memory_space<hbm>>) dst(%arg11 : memref<128x64xf32, #tpu.memory_space<vmem>>)
        %dma_start3A_103 = arith.constant 0 : i32
        %dma_start3A_104 = tpu.memref_slice %arg8[%scan3A_38, %dma_start3A_103] : memref<80x128xi32, #tpu.memory_space<vmem>> -> memref<1x128xi32, #tpu.memory_space<vmem>>
        %dma_start3A_105 = tpu.memref_squeeze %dma_start3A_104 : memref<1x128xi32, #tpu.memory_space<vmem>> -> memref<128xi32, #tpu.memory_space<vmem>>
        %dma_start3A_106 = arith.constant 0 : i32
        %dma_start3A_107 = arith.constant 0 : i32
        %dma_start3A_108 = tpu.memref_slice %arg12[%dma_start3A_106, %dma_start3A_107] : memref<10112x64xf32, #tpu.memory_space<vmem_shared>> -> memref<10112x64xf32, #tpu.memory_space<vmem_shared>>
        tpu.enqueue_indirect_dma source(%arg11 : memref<128x64xf32, #tpu.memory_space<vmem>>) target(%dma_start3A_108 : memref<10112x64xf32, #tpu.memory_space<vmem_shared>>) offsets(%dma_start3A_105 : memref<128xi32, #tpu.memory_space<vmem>>) semaphore(%arg14 : memref<!tpu.dma_semaphore, #tpu.memory_space<semaphore_mem>>) {add = true}
      } else {
      }
      %eq3A_81 = arith.constant 2 : i32
      %eq3A_82 = arith.cmpi eq, %rem3A_39, %eq3A_81 : i32
      %ge3A_83 = arith.constant 1 : i32
      %ge3A_84 = arith.cmpi sge, %scan3A_38, %ge3A_83 : i32
      %and3A_85 = arith.andi %eq3A_82, %ge3A_84 : i1
      %convert_element_type3A_86 = arith.extui %and3A_85 : i1 to i32
      %cond3A_87 = arith.constant 0 : i32
      %cond3A_88 = arith.cmpi ne, %convert_element_type3A_86, %cond3A_87 : i32
      scf.if %cond3A_88 {
        %sub3A = arith.constant 1 : i32
        %sub3A_97 = arith.subi %scan3A_38, %sub3A : i32
        %dma_wait3A_98 = arith.constant 0 : i32
        %dma_wait3A_99 = tpu.memref_slice %arg8[%sub3A_97, %dma_wait3A_98] : memref<80x128xi32, #tpu.memory_space<vmem>> -> memref<1x128xi32, #tpu.memory_space<vmem>>
        %dma_wait3A_100 = tpu.memref_squeeze %dma_wait3A_99 : memref<1x128xi32, #tpu.memory_space<vmem>> -> memref<128xi32, #tpu.memory_space<vmem>>
        %dma_wait3A_101 = arith.constant 0 : i32
        %dma_wait3A_102 = arith.constant 0 : i32
        %dma_wait3A_103 = tpu.memref_slice %arg12[%dma_wait3A_101, %dma_wait3A_102] : memref<10112x64xf32, #tpu.memory_space<vmem_shared>> -> memref<10112x64xf32, #tpu.memory_space<vmem_shared>>
        tpu.wait_indirect_dma semaphore(%arg14 : memref<!tpu.dma_semaphore, #tpu.memory_space<semaphore_mem>>) src(%arg10 : memref<128x64xf32, #tpu.memory_space<vmem>>) dst(%dma_wait3A_103 : memref<10112x64xf32, #tpu.memory_space<vmem_shared>>)
      } else {
      }
      %eq3A_89 = arith.constant 2 : i32
      %eq3A_90 = arith.cmpi eq, %rem3A_39, %eq3A_89 : i32
      %lt3A_91 = arith.constant 78 : i32
      %lt3A_92 = arith.cmpi slt, %scan3A_38, %lt3A_91 : i32
      %and3A_93 = arith.andi %eq3A_90, %lt3A_92 : i1
      %convert_element_type3A_94 = arith.extui %and3A_93 : i1 to i32
      %cond3A_95 = arith.constant 0 : i32
      %cond3A_96 = arith.cmpi ne, %convert_element_type3A_94, %cond3A_95 : i32
      scf.if %cond3A_96 {
        %add3A_97 = arith.constant 2 : i32
        %add3A_98 = arith.addi %scan3A_38, %add3A_97 : i32
        %dma_start3A_99 = arith.constant 0 : i32
        %dma_start3A_100 = tpu.memref_slice %arg7[%add3A_98, %dma_start3A_99] : memref<80x128xi32, #tpu.memory_space<vmem>> -> memref<1x128xi32, #tpu.memory_space<vmem>>
        %dma_start3A_101 = tpu.memref_squeeze %dma_start3A_100 : memref<1x128xi32, #tpu.memory_space<vmem>> -> memref<128xi32, #tpu.memory_space<vmem>>
        %dma_start3A_102 = arith.constant 0 : i32
        %dma_start3A_103 = arith.constant 0 : i32
        %dma_start3A_104 = tpu.memref_slice %arg4[%dma_start3A_102, %dma_start3A_103] : memref<10000x64xf32, #tpu.memory_space<hbm>> -> memref<10000x64xf32, #tpu.memory_space<hbm>>
        tpu.enqueue_indirect_dma source(%dma_start3A_104 : memref<10000x64xf32, #tpu.memory_space<hbm>>) target(%arg10 : memref<128x64xf32, #tpu.memory_space<vmem>>) offsets(%dma_start3A_101 : memref<128xi32, #tpu.memory_space<vmem>>) semaphore(%arg13 : memref<!tpu.dma_semaphore, #tpu.memory_space<semaphore_mem>>)
      } else {
      }
    }
    %scan3A_26 = arith.constant 80 : i32
    %dma_wait3A = arith.constant 79 : i32
    %dma_wait3A_27 = arith.constant 0 : i32
    %dma_wait3A_28 = tpu.memref_slice %arg8[%dma_wait3A, %dma_wait3A_27] : memref<80x128xi32, #tpu.memory_space<vmem>> -> memref<1x128xi32, #tpu.memory_space<vmem>>
    %dma_wait3A_29 = tpu.memref_squeeze %dma_wait3A_28 : memref<1x128xi32, #tpu.memory_space<vmem>> -> memref<128xi32, #tpu.memory_space<vmem>>
    %dma_wait3A_30 = arith.constant 0 : i32
    %dma_wait3A_31 = arith.constant 0 : i32
    %dma_wait3A_32 = tpu.memref_slice %arg12[%dma_wait3A_30, %dma_wait3A_31] : memref<10112x64xf32, #tpu.memory_space<vmem_shared>> -> memref<10112x64xf32, #tpu.memory_space<vmem_shared>>
    tpu.wait_indirect_dma semaphore(%arg14 : memref<!tpu.dma_semaphore, #tpu.memory_space<semaphore_mem>>) src(%arg10 : memref<128x64xf32, #tpu.memory_space<vmem>>) dst(%dma_wait3A_32 : memref<10112x64xf32, #tpu.memory_space<vmem_shared>>)
    %barrier3A_33 = arith.constant 0 : index
    tpu.barrier barrier_id(%barrier3A_33)
    %mul3A_34 = arith.constant 632 : i32
    %mul3A_35 = arith.muli %arg1, %mul3A_34 : i32
    %mul3A_36 = arith.constant 632 : i32
    %mul3A_37 = arith.muli %arg1, %mul3A_36 : i32
    "tpu.region"() ({
      %run_scoped3A = tpu.sem_alloc : memref<!tpu.dma_semaphore, #tpu.memory_space<semaphore_mem>>
      %dma_start3A_38 = arith.constant 0 : i32
      %dma_start3A_39 = tpu.memref_slice %arg6[%arg0, %mul3A_37, %dma_start3A_38] : memref<2x10112x64xf32, #tpu.memory_space<hbm>> -> memref<1x632x64xf32, #tpu.memory_space<hbm>>
      %dma_start3A_40 = tpu.memref_squeeze %dma_start3A_39 : memref<1x632x64xf32, #tpu.memory_space<hbm>> -> memref<632x64xf32, #tpu.memory_space<hbm>>
      %dma_start3A_41 = arith.constant 0 : i32
      %dma_start3A_42 = tpu.memref_slice %arg12[%mul3A_35, %dma_start3A_41] : memref<10112x64xf32, #tpu.memory_space<vmem_shared>> -> memref<632x64xf32, #tpu.memory_space<vmem_shared>>
      tpu.enqueue_dma source(%dma_start3A_42 : memref<632x64xf32, #tpu.memory_space<vmem_shared>>) target(%dma_start3A_40 : memref<632x64xf32, #tpu.memory_space<hbm>>) target_semaphore(%run_scoped3A : memref<!tpu.dma_semaphore, #tpu.memory_space<semaphore_mem>>)
      %dma_wait3A_43 = arith.constant 0 : i32
      %dma_wait3A_44 = tpu.memref_slice %arg6[%arg0, %mul3A_37, %dma_wait3A_43] : memref<2x10112x64xf32, #tpu.memory_space<hbm>> -> memref<1x632x64xf32, #tpu.memory_space<hbm>>
      %dma_wait3A_45 = tpu.memref_squeeze %dma_wait3A_44 : memref<1x632x64xf32, #tpu.memory_space<hbm>> -> memref<632x64xf32, #tpu.memory_space<hbm>>
      %dma_wait3A_46 = arith.constant 0 : i32
      %dma_wait3A_47 = tpu.memref_slice %arg12[%mul3A_35, %dma_wait3A_46] : memref<10112x64xf32, #tpu.memory_space<vmem_shared>> -> memref<632x64xf32, #tpu.memory_space<vmem_shared>>
      tpu.wait_dma2 semaphore(%run_scoped3A : memref<!tpu.dma_semaphore, #tpu.memory_space<semaphore_mem>>) src(%dma_wait3A_47 : memref<632x64xf32, #tpu.memory_space<vmem_shared>>) dst(%dma_wait3A_45 : memref<632x64xf32, #tpu.memory_space<hbm>>)
      tpu.yield
    }) : () -> ()
    return
  }
}

#map = affine_map<(d0, d1) -> (0, 0)>
#map1 = affine_map<(d0, d1) -> (0, 0, 0)>
module attributes {stable_mosaic.version = 14 : i64} {
  func.func @_deg_sc(%arg0: i32, %arg1: i32, %arg2: memref<2560x128xi32, #tpu.memory_space<hbm>>, %arg3: memref<128x1xf32, #tpu.memory_space<hbm>>, %arg4: memref<10112x1xf32, #tpu.memory_space<hbm>>, %arg5: memref<2x10112x1xf32, #tpu.memory_space<hbm>>, %arg6: memref<80x128xi32, #tpu.memory_space<vmem>>, %arg7: memref<128x1xf32, #tpu.memory_space<vmem>>, %arg8: memref<10112x1xf32, #tpu.memory_space<vmem_shared>>) attributes {dimension_semantics = [#tpu.dimension_semantics<core_parallel>, #tpu.dimension_semantics<subcore_parallel>], iteration_bounds = array<i64: 2, 16>, scalar_prefetch = 0 : i64, scratch_operands = 3 : i64, tpu.core_type = #tpu.core_type<sc_vector_subcore>, window_params = [{transform_indices = #map}, {transform_indices = #map}, {transform_indices = #map}, {transform_indices = #map1}]} {
    %mul3A = arith.constant 2 : i32
    %mul3A_0 = arith.muli %arg1, %mul3A : i32
    %add3A = arith.addi %mul3A_0, %arg0 : i32
    %mul3A_1 = arith.constant 632 : i32
    %mul3A_2 = arith.muli %arg1, %mul3A_1 : i32
    %mul3A_3 = arith.constant 632 : i32
    %mul3A_4 = arith.muli %arg1, %mul3A_3 : i32
    "tpu.region"() ({
      %run_scoped3A = tpu.sem_alloc : memref<!tpu.dma_semaphore, #tpu.memory_space<semaphore_mem>>
      %dma_start3A = arith.constant 0 : i32
      %dma_start3A_17 = tpu.memref_slice %arg8[%mul3A_4, %dma_start3A] : memref<10112x1xf32, #tpu.memory_space<vmem_shared>> -> memref<632x1xf32, #tpu.memory_space<vmem_shared>>
      %dma_start3A_18 = arith.constant 0 : i32
      %dma_start3A_19 = tpu.memref_slice %arg4[%mul3A_2, %dma_start3A_18] : memref<10112x1xf32, #tpu.memory_space<hbm>> -> memref<632x1xf32, #tpu.memory_space<hbm>>
      tpu.enqueue_dma source(%dma_start3A_19 : memref<632x1xf32, #tpu.memory_space<hbm>>) target(%dma_start3A_17 : memref<632x1xf32, #tpu.memory_space<vmem_shared>>) target_semaphore(%run_scoped3A : memref<!tpu.dma_semaphore, #tpu.memory_space<semaphore_mem>>)
      %dma_wait3A = arith.constant 0 : i32
      %dma_wait3A_20 = tpu.memref_slice %arg8[%mul3A_4, %dma_wait3A] : memref<10112x1xf32, #tpu.memory_space<vmem_shared>> -> memref<632x1xf32, #tpu.memory_space<vmem_shared>>
      %dma_wait3A_21 = arith.constant 0 : i32
      %dma_wait3A_22 = tpu.memref_slice %arg4[%mul3A_2, %dma_wait3A_21] : memref<10112x1xf32, #tpu.memory_space<hbm>> -> memref<632x1xf32, #tpu.memory_space<hbm>>
      tpu.wait_dma2 semaphore(%run_scoped3A : memref<!tpu.dma_semaphore, #tpu.memory_space<semaphore_mem>>) src(%dma_wait3A_22 : memref<632x1xf32, #tpu.memory_space<hbm>>) dst(%dma_wait3A_20 : memref<632x1xf32, #tpu.memory_space<vmem_shared>>)
      tpu.yield
    }) : () -> ()
    %mul3A_5 = arith.constant 80 : i32
    %mul3A_6 = arith.muli %add3A, %mul3A_5 : i32
    "tpu.region"() ({
      %run_scoped3A = tpu.sem_alloc : memref<!tpu.dma_semaphore, #tpu.memory_space<semaphore_mem>>
      %dma_start3A = arith.constant 0 : i32
      %dma_start3A_17 = tpu.memref_slice %arg2[%mul3A_6, %dma_start3A] : memref<2560x128xi32, #tpu.memory_space<hbm>> -> memref<80x128xi32, #tpu.memory_space<hbm>>
      %dma_start3A_18 = arith.constant 0 : i32
      %dma_start3A_19 = tpu.memref_slice %arg2[%mul3A_6, %dma_start3A_18] : memref<2560x128xi32, #tpu.memory_space<hbm>> -> memref<80x128xi32, #tpu.memory_space<hbm>>
      tpu.enqueue_dma source(%dma_start3A_19 : memref<80x128xi32, #tpu.memory_space<hbm>>) target(%arg6 : memref<80x128xi32, #tpu.memory_space<vmem>>) target_semaphore(%run_scoped3A : memref<!tpu.dma_semaphore, #tpu.memory_space<semaphore_mem>>)
      %dma_wait3A = arith.constant 0 : i32
      %dma_wait3A_20 = tpu.memref_slice %arg2[%mul3A_6, %dma_wait3A] : memref<2560x128xi32, #tpu.memory_space<hbm>> -> memref<80x128xi32, #tpu.memory_space<hbm>>
      %dma_wait3A_21 = arith.constant 0 : i32
      %dma_wait3A_22 = tpu.memref_slice %arg2[%mul3A_6, %dma_wait3A_21] : memref<2560x128xi32, #tpu.memory_space<hbm>> -> memref<80x128xi32, #tpu.memory_space<hbm>>
      tpu.wait_dma2 semaphore(%run_scoped3A : memref<!tpu.dma_semaphore, #tpu.memory_space<semaphore_mem>>) src(%dma_wait3A_22 : memref<80x128xi32, #tpu.memory_space<hbm>>) dst(%arg6 : memref<80x128xi32, #tpu.memory_space<vmem>>)
      tpu.yield
    }) : () -> ()
    "tpu.region"() ({
      %run_scoped3A = tpu.sem_alloc : memref<!tpu.dma_semaphore, #tpu.memory_space<semaphore_mem>>
      tpu.enqueue_dma source(%arg3 : memref<128x1xf32, #tpu.memory_space<hbm>>) target(%arg7 : memref<128x1xf32, #tpu.memory_space<vmem>>) target_semaphore(%run_scoped3A : memref<!tpu.dma_semaphore, #tpu.memory_space<semaphore_mem>>)
      tpu.wait_dma2 semaphore(%run_scoped3A : memref<!tpu.dma_semaphore, #tpu.memory_space<semaphore_mem>>) src(%arg3 : memref<128x1xf32, #tpu.memory_space<hbm>>) dst(%arg7 : memref<128x1xf32, #tpu.memory_space<vmem>>)
      tpu.yield
    }) : () -> ()
    %barrier3A = arith.constant 0 : index
    tpu.barrier barrier_id(%barrier3A)
    %scan3A = arith.constant 0 : i32
    %scan3A_7 = arith.constant 0 : i32
    %scan3A_8 = arith.constant 80 : i32
    %scan3A_9 = arith.addi %scan3A_7, %scan3A_8 : i32
    %scan3A_10 = arith.constant 1 : i32
    scf.for %scan3A_17 = %scan3A_7 to %scan3A_9 step %scan3A_10  : i32 {
      "tpu.region"() ({
        %run_scoped3A = tpu.sem_alloc : memref<!tpu.dma_semaphore, #tpu.memory_space<semaphore_mem>>
        %dma_start3A = arith.constant 0 : i32
        %dma_start3A_18 = tpu.memref_slice %arg6[%scan3A_17, %dma_start3A] : memref<80x128xi32, #tpu.memory_space<vmem>> -> memref<1x128xi32, #tpu.memory_space<vmem>>
        %dma_start3A_19 = tpu.memref_squeeze %dma_start3A_18 : memref<1x128xi32, #tpu.memory_space<vmem>> -> memref<128xi32, #tpu.memory_space<vmem>>
        %dma_start3A_20 = arith.constant 0 : i32
        %dma_start3A_21 = arith.constant 0 : i32
        %dma_start3A_22 = tpu.memref_slice %arg8[%dma_start3A_20, %dma_start3A_21] : memref<10112x1xf32, #tpu.memory_space<vmem_shared>> -> memref<10112x1xf32, #tpu.memory_space<vmem_shared>>
        tpu.enqueue_indirect_dma source(%arg7 : memref<128x1xf32, #tpu.memory_space<vmem>>) target(%dma_start3A_22 : memref<10112x1xf32, #tpu.memory_space<vmem_shared>>) offsets(%dma_start3A_19 : memref<128xi32, #tpu.memory_space<vmem>>) semaphore(%run_scoped3A : memref<!tpu.dma_semaphore, #tpu.memory_space<semaphore_mem>>) {add = true}
        %dma_wait3A = arith.constant 0 : i32
        %dma_wait3A_23 = tpu.memref_slice %arg6[%scan3A_17, %dma_wait3A] : memref<80x128xi32, #tpu.memory_space<vmem>> -> memref<1x128xi32, #tpu.memory_space<vmem>>
        %dma_wait3A_24 = tpu.memref_squeeze %dma_wait3A_23 : memref<1x128xi32, #tpu.memory_space<vmem>> -> memref<128xi32, #tpu.memory_space<vmem>>
        %dma_wait3A_25 = arith.constant 0 : i32
        %dma_wait3A_26 = arith.constant 0 : i32
        %dma_wait3A_27 = tpu.memref_slice %arg8[%dma_wait3A_25, %dma_wait3A_26] : memref<10112x1xf32, #tpu.memory_space<vmem_shared>> -> memref<10112x1xf32, #tpu.memory_space<vmem_shared>>
        tpu.wait_indirect_dma semaphore(%run_scoped3A : memref<!tpu.dma_semaphore, #tpu.memory_space<semaphore_mem>>) src(%arg7 : memref<128x1xf32, #tpu.memory_space<vmem>>) dst(%dma_wait3A_27 : memref<10112x1xf32, #tpu.memory_space<vmem_shared>>)
        tpu.yield
      }) : () -> ()
    }
    %scan3A_11 = arith.constant 80 : i32
    %barrier3A_12 = arith.constant 0 : index
    tpu.barrier barrier_id(%barrier3A_12)
    %mul3A_13 = arith.constant 632 : i32
    %mul3A_14 = arith.muli %arg1, %mul3A_13 : i32
    %mul3A_15 = arith.constant 632 : i32
    %mul3A_16 = arith.muli %arg1, %mul3A_15 : i32
    "tpu.region"() ({
      %run_scoped3A = tpu.sem_alloc : memref<!tpu.dma_semaphore, #tpu.memory_space<semaphore_mem>>
      %dma_start3A = arith.constant 0 : i32
      %dma_start3A_17 = tpu.memref_slice %arg5[%arg0, %mul3A_16, %dma_start3A] : memref<2x10112x1xf32, #tpu.memory_space<hbm>> -> memref<1x632x1xf32, #tpu.memory_space<hbm>>
      %dma_start3A_18 = tpu.memref_squeeze %dma_start3A_17 : memref<1x632x1xf32, #tpu.memory_space<hbm>> -> memref<632x1xf32, #tpu.memory_space<hbm>>
      %dma_start3A_19 = arith.constant 0 : i32
      %dma_start3A_20 = tpu.memref_slice %arg8[%mul3A_14, %dma_start3A_19] : memref<10112x1xf32, #tpu.memory_space<vmem_shared>> -> memref<632x1xf32, #tpu.memory_space<vmem_shared>>
      tpu.enqueue_dma source(%dma_start3A_20 : memref<632x1xf32, #tpu.memory_space<vmem_shared>>) target(%dma_start3A_18 : memref<632x1xf32, #tpu.memory_space<hbm>>) target_semaphore(%run_scoped3A : memref<!tpu.dma_semaphore, #tpu.memory_space<semaphore_mem>>)
      %dma_wait3A = arith.constant 0 : i32
      %dma_wait3A_21 = tpu.memref_slice %arg5[%arg0, %mul3A_16, %dma_wait3A] : memref<2x10112x1xf32, #tpu.memory_space<hbm>> -> memref<1x632x1xf32, #tpu.memory_space<hbm>>
      %dma_wait3A_22 = tpu.memref_squeeze %dma_wait3A_21 : memref<1x632x1xf32, #tpu.memory_space<hbm>> -> memref<632x1xf32, #tpu.memory_space<hbm>>
      %dma_wait3A_23 = arith.constant 0 : i32
      %dma_wait3A_24 = tpu.memref_slice %arg8[%mul3A_14, %dma_wait3A_23] : memref<10112x1xf32, #tpu.memory_space<vmem_shared>> -> memref<632x1xf32, #tpu.memory_space<vmem_shared>>
      tpu.wait_dma2 semaphore(%run_scoped3A : memref<!tpu.dma_semaphore, #tpu.memory_space<semaphore_mem>>) src(%dma_wait3A_24 : memref<632x1xf32, #tpu.memory_space<vmem_shared>>) dst(%dma_wait3A_22 : memref<632x1xf32, #tpu.memory_space<hbm>>)
      tpu.yield
    }) : () -> ()
    return
  }
}

#map = affine_map<(d0, d1) -> (0, 0)>
#map1 = affine_map<(d0, d1) -> (0, 0, 0)>
module attributes {stable_mosaic.version = 14 : i64} {
  func.func @_agg_body(%arg0: i32, %arg1: i32, %arg2: memref<2560x128xi32, #tpu.memory_space<hbm>>, %arg3: memref<2560x128xi32, #tpu.memory_space<hbm>>, %arg4: memref<10000x64xf32, #tpu.memory_space<hbm>>, %arg5: memref<10112x64xf32, #tpu.memory_space<hbm>>, %arg6: memref<2x10112x64xf32, #tpu.memory_space<hbm>>, %arg7: memref<80x128xi32, #tpu.memory_space<vmem>>, %arg8: memref<80x128xi32, #tpu.memory_space<vmem>>, %arg9: memref<128x64xf32, #tpu.memory_space<vmem>>, %arg10: memref<128x64xf32, #tpu.memory_space<vmem>>, %arg11: memref<128x64xf32, #tpu.memory_space<vmem>>, %arg12: memref<10112x64xf32, #tpu.memory_space<vmem_shared>>, %arg13: memref<!tpu.dma_semaphore, #tpu.memory_space<semaphore_mem>>, %arg14: memref<!tpu.dma_semaphore, #tpu.memory_space<semaphore_mem>>) attributes {dimension_semantics = [#tpu.dimension_semantics<core_parallel>, #tpu.dimension_semantics<subcore_parallel>], iteration_bounds = array<i64: 2, 16>, scalar_prefetch = 0 : i64, scratch_operands = 8 : i64, tpu.core_type = #tpu.core_type<sc_vector_subcore>, window_params = [{transform_indices = #map}, {transform_indices = #map}, {transform_indices = #map}, {transform_indices = #map}, {transform_indices = #map1}]} {
    %mul3A = arith.constant 2 : i32
    %mul3A_0 = arith.muli %arg1, %mul3A : i32
    %add3A = arith.addi %mul3A_0, %arg0 : i32
    %mul3A_1 = arith.constant 632 : i32
    %mul3A_2 = arith.muli %arg1, %mul3A_1 : i32
    %mul3A_3 = arith.constant 632 : i32
    %mul3A_4 = arith.muli %arg1, %mul3A_3 : i32
    "tpu.region"() ({
      %run_scoped3A = tpu.sem_alloc : memref<!tpu.dma_semaphore, #tpu.memory_space<semaphore_mem>>
      %dma_start3A_38 = arith.constant 0 : i32
      %dma_start3A_39 = tpu.memref_slice %arg12[%mul3A_4, %dma_start3A_38] : memref<10112x64xf32, #tpu.memory_space<vmem_shared>> -> memref<632x64xf32, #tpu.memory_space<vmem_shared>>
      %dma_start3A_40 = arith.constant 0 : i32
      %dma_start3A_41 = tpu.memref_slice %arg5[%mul3A_2, %dma_start3A_40] : memref<10112x64xf32, #tpu.memory_space<hbm>> -> memref<632x64xf32, #tpu.memory_space<hbm>>
      tpu.enqueue_dma source(%dma_start3A_41 : memref<632x64xf32, #tpu.memory_space<hbm>>) target(%dma_start3A_39 : memref<632x64xf32, #tpu.memory_space<vmem_shared>>) target_semaphore(%run_scoped3A : memref<!tpu.dma_semaphore, #tpu.memory_space<semaphore_mem>>)
      %dma_wait3A_42 = arith.constant 0 : i32
      %dma_wait3A_43 = tpu.memref_slice %arg12[%mul3A_4, %dma_wait3A_42] : memref<10112x64xf32, #tpu.memory_space<vmem_shared>> -> memref<632x64xf32, #tpu.memory_space<vmem_shared>>
      %dma_wait3A_44 = arith.constant 0 : i32
      %dma_wait3A_45 = tpu.memref_slice %arg5[%mul3A_2, %dma_wait3A_44] : memref<10112x64xf32, #tpu.memory_space<hbm>> -> memref<632x64xf32, #tpu.memory_space<hbm>>
      tpu.wait_dma2 semaphore(%run_scoped3A : memref<!tpu.dma_semaphore, #tpu.memory_space<semaphore_mem>>) src(%dma_wait3A_45 : memref<632x64xf32, #tpu.memory_space<hbm>>) dst(%dma_wait3A_43 : memref<632x64xf32, #tpu.memory_space<vmem_shared>>)
      tpu.yield
    }) : () -> ()
    %mul3A_5 = arith.constant 80 : i32
    %mul3A_6 = arith.muli %add3A, %mul3A_5 : i32
    "tpu.region"() ({
      %run_scoped3A = tpu.sem_alloc : memref<!tpu.dma_semaphore, #tpu.memory_space<semaphore_mem>>
      %dma_start3A_38 = arith.constant 0 : i32
      %dma_start3A_39 = tpu.memref_slice %arg2[%mul3A_6, %dma_start3A_38] : memref<2560x128xi32, #tpu.memory_space<hbm>> -> memref<80x128xi32, #tpu.memory_space<hbm>>
      %dma_start3A_40 = arith.constant 0 : i32
      %dma_start3A_41 = tpu.memref_slice %arg2[%mul3A_6, %dma_start3A_40] : memref<2560x128xi32, #tpu.memory_space<hbm>> -> memref<80x128xi32, #tpu.memory_space<hbm>>
      tpu.enqueue_dma source(%dma_start3A_41 : memref<80x128xi32, #tpu.memory_space<hbm>>) target(%arg7 : memref<80x128xi32, #tpu.memory_space<vmem>>) target_semaphore(%run_scoped3A : memref<!tpu.dma_semaphore, #tpu.memory_space<semaphore_mem>>)
      %dma_wait3A_42 = arith.constant 0 : i32
      %dma_wait3A_43 = tpu.memref_slice %arg2[%mul3A_6, %dma_wait3A_42] : memref<2560x128xi32, #tpu.memory_space<hbm>> -> memref<80x128xi32, #tpu.memory_space<hbm>>
      %dma_wait3A_44 = arith.constant 0 : i32
      %dma_wait3A_45 = tpu.memref_slice %arg2[%mul3A_6, %dma_wait3A_44] : memref<2560x128xi32, #tpu.memory_space<hbm>> -> memref<80x128xi32, #tpu.memory_space<hbm>>
      tpu.wait_dma2 semaphore(%run_scoped3A : memref<!tpu.dma_semaphore, #tpu.memory_space<semaphore_mem>>) src(%dma_wait3A_45 : memref<80x128xi32, #tpu.memory_space<hbm>>) dst(%arg7 : memref<80x128xi32, #tpu.memory_space<vmem>>)
      tpu.yield
    }) : () -> ()
    %mul3A_7 = arith.constant 80 : i32
    %mul3A_8 = arith.muli %add3A, %mul3A_7 : i32
    "tpu.region"() ({
      %run_scoped3A = tpu.sem_alloc : memref<!tpu.dma_semaphore, #tpu.memory_space<semaphore_mem>>
      %dma_start3A_38 = arith.constant 0 : i32
      %dma_start3A_39 = tpu.memref_slice %arg3[%mul3A_8, %dma_start3A_38] : memref<2560x128xi32, #tpu.memory_space<hbm>> -> memref<80x128xi32, #tpu.memory_space<hbm>>
      %dma_start3A_40 = arith.constant 0 : i32
      %dma_start3A_41 = tpu.memref_slice %arg3[%mul3A_8, %dma_start3A_40] : memref<2560x128xi32, #tpu.memory_space<hbm>> -> memref<80x128xi32, #tpu.memory_space<hbm>>
      tpu.enqueue_dma source(%dma_start3A_41 : memref<80x128xi32, #tpu.memory_space<hbm>>) target(%arg8 : memref<80x128xi32, #tpu.memory_space<vmem>>) target_semaphore(%run_scoped3A : memref<!tpu.dma_semaphore, #tpu.memory_space<semaphore_mem>>)
      %dma_wait3A_42 = arith.constant 0 : i32
      %dma_wait3A_43 = tpu.memref_slice %arg3[%mul3A_8, %dma_wait3A_42] : memref<2560x128xi32, #tpu.memory_space<hbm>> -> memref<80x128xi32, #tpu.memory_space<hbm>>
      %dma_wait3A_44 = arith.constant 0 : i32
      %dma_wait3A_45 = tpu.memref_slice %arg3[%mul3A_8, %dma_wait3A_44] : memref<2560x128xi32, #tpu.memory_space<hbm>> -> memref<80x128xi32, #tpu.memory_space<hbm>>
      tpu.wait_dma2 semaphore(%run_scoped3A : memref<!tpu.dma_semaphore, #tpu.memory_space<semaphore_mem>>) src(%dma_wait3A_45 : memref<80x128xi32, #tpu.memory_space<hbm>>) dst(%arg8 : memref<80x128xi32, #tpu.memory_space<vmem>>)
      tpu.yield
    }) : () -> ()
    %barrier3A = arith.constant 0 : index
    tpu.barrier barrier_id(%barrier3A)
    %dma_start3A = arith.constant 0 : i32
    %dma_start3A_9 = arith.constant 0 : i32
    %dma_start3A_10 = tpu.memref_slice %arg7[%dma_start3A, %dma_start3A_9] : memref<80x128xi32, #tpu.memory_space<vmem>> -> memref<1x128xi32, #tpu.memory_space<vmem>>
    %dma_start3A_11 = tpu.memref_squeeze %dma_start3A_10 : memref<1x128xi32, #tpu.memory_space<vmem>> -> memref<128xi32, #tpu.memory_space<vmem>>
    %dma_start3A_12 = arith.constant 0 : i32
    %dma_start3A_13 = arith.constant 0 : i32
    %dma_start3A_14 = tpu.memref_slice %arg4[%dma_start3A_12, %dma_start3A_13] : memref<10000x64xf32, #tpu.memory_space<hbm>> -> memref<10000x64xf32, #tpu.memory_space<hbm>>
    tpu.enqueue_indirect_dma source(%dma_start3A_14 : memref<10000x64xf32, #tpu.memory_space<hbm>>) target(%arg9 : memref<128x64xf32, #tpu.memory_space<vmem>>) offsets(%dma_start3A_11 : memref<128xi32, #tpu.memory_space<vmem>>) semaphore(%arg13 : memref<!tpu.dma_semaphore, #tpu.memory_space<semaphore_mem>>)
    %dma_start3A_15 = arith.constant 1 : i32
    %dma_start3A_16 = arith.constant 0 : i32
    %dma_start3A_17 = tpu.memref_slice %arg7[%dma_start3A_15, %dma_start3A_16] : memref<80x128xi32, #tpu.memory_space<vmem>> -> memref<1x128xi32, #tpu.memory_space<vmem>>
    %dma_start3A_18 = tpu.memref_squeeze %dma_start3A_17 : memref<1x128xi32, #tpu.memory_space<vmem>> -> memref<128xi32, #tpu.memory_space<vmem>>
    %dma_start3A_19 = arith.constant 0 : i32
    %dma_start3A_20 = arith.constant 0 : i32
    %dma_start3A_21 = tpu.memref_slice %arg4[%dma_start3A_19, %dma_start3A_20] : memref<10000x64xf32, #tpu.memory_space<hbm>> -> memref<10000x64xf32, #tpu.memory_space<hbm>>
    tpu.enqueue_indirect_dma source(%dma_start3A_21 : memref<10000x64xf32, #tpu.memory_space<hbm>>) target(%arg10 : memref<128x64xf32, #tpu.memory_space<vmem>>) offsets(%dma_start3A_18 : memref<128xi32, #tpu.memory_space<vmem>>) semaphore(%arg13 : memref<!tpu.dma_semaphore, #tpu.memory_space<semaphore_mem>>)
    %scan3A = arith.constant 0 : i32
    %scan3A_22 = arith.constant 0 : i32
    %scan3A_23 = arith.constant 80 : i32
    %scan3A_24 = arith.addi %scan3A_22, %scan3A_23 : i32
    %scan3A_25 = arith.constant 1 : i32
    scf.for %scan3A_38 = %scan3A_22 to %scan3A_24 step %scan3A_25  : i32 {
      %rem3A = arith.constant 3 : i32
      %rem3A_39 = arith.remsi %scan3A_38, %rem3A : i32
      %eq3A = arith.constant 0 : i32
      %eq3A_40 = arith.cmpi eq, %rem3A_39, %eq3A : i32
      %convert_element_type3A = arith.extui %eq3A_40 : i1 to i32
      %cond3A = arith.constant 0 : i32
      %cond3A_41 = arith.cmpi ne, %convert_element_type3A, %cond3A : i32
      scf.if %cond3A_41 {
        %dma_wait3A_97 = arith.constant 0 : i32
        %dma_wait3A_98 = tpu.memref_slice %arg7[%scan3A_38, %dma_wait3A_97] : memref<80x128xi32, #tpu.memory_space<vmem>> -> memref<1x128xi32, #tpu.memory_space<vmem>>
        %dma_wait3A_99 = tpu.memref_squeeze %dma_wait3A_98 : memref<1x128xi32, #tpu.memory_space<vmem>> -> memref<128xi32, #tpu.memory_space<vmem>>
        %dma_wait3A_100 = arith.constant 0 : i32
        %dma_wait3A_101 = arith.constant 0 : i32
        %dma_wait3A_102 = tpu.memref_slice %arg4[%dma_wait3A_100, %dma_wait3A_101] : memref<10000x64xf32, #tpu.memory_space<hbm>> -> memref<10000x64xf32, #tpu.memory_space<hbm>>
        tpu.wait_indirect_dma semaphore(%arg13 : memref<!tpu.dma_semaphore, #tpu.memory_space<semaphore_mem>>) src(%dma_wait3A_102 : memref<10000x64xf32, #tpu.memory_space<hbm>>) dst(%arg9 : memref<128x64xf32, #tpu.memory_space<vmem>>)
        %dma_start3A_103 = arith.constant 0 : i32
        %dma_start3A_104 = tpu.memref_slice %arg8[%scan3A_38, %dma_start3A_103] : memref<80x128xi32, #tpu.memory_space<vmem>> -> memref<1x128xi32, #tpu.memory_space<vmem>>
        %dma_start3A_105 = tpu.memref_squeeze %dma_start3A_104 : memref<1x128xi32, #tpu.memory_space<vmem>> -> memref<128xi32, #tpu.memory_space<vmem>>
        %dma_start3A_106 = arith.constant 0 : i32
        %dma_start3A_107 = arith.constant 0 : i32
        %dma_start3A_108 = tpu.memref_slice %arg12[%dma_start3A_106, %dma_start3A_107] : memref<10112x64xf32, #tpu.memory_space<vmem_shared>> -> memref<10112x64xf32, #tpu.memory_space<vmem_shared>>
        tpu.enqueue_indirect_dma source(%arg9 : memref<128x64xf32, #tpu.memory_space<vmem>>) target(%dma_start3A_108 : memref<10112x64xf32, #tpu.memory_space<vmem_shared>>) offsets(%dma_start3A_105 : memref<128xi32, #tpu.memory_space<vmem>>) semaphore(%arg14 : memref<!tpu.dma_semaphore, #tpu.memory_space<semaphore_mem>>) {add = true}
      } else {
      }
      %eq3A_42 = arith.constant 0 : i32
      %eq3A_43 = arith.cmpi eq, %rem3A_39, %eq3A_42 : i32
      %ge3A = arith.constant 1 : i32
      %ge3A_44 = arith.cmpi sge, %scan3A_38, %ge3A : i32
      %and3A = arith.andi %eq3A_43, %ge3A_44 : i1
      %convert_element_type3A_45 = arith.extui %and3A : i1 to i32
      %cond3A_46 = arith.constant 0 : i32
      %cond3A_47 = arith.cmpi ne, %convert_element_type3A_45, %cond3A_46 : i32
      scf.if %cond3A_47 {
        %sub3A = arith.constant 1 : i32
        %sub3A_97 = arith.subi %scan3A_38, %sub3A : i32
        %dma_wait3A_98 = arith.constant 0 : i32
        %dma_wait3A_99 = tpu.memref_slice %arg8[%sub3A_97, %dma_wait3A_98] : memref<80x128xi32, #tpu.memory_space<vmem>> -> memref<1x128xi32, #tpu.memory_space<vmem>>
        %dma_wait3A_100 = tpu.memref_squeeze %dma_wait3A_99 : memref<1x128xi32, #tpu.memory_space<vmem>> -> memref<128xi32, #tpu.memory_space<vmem>>
        %dma_wait3A_101 = arith.constant 0 : i32
        %dma_wait3A_102 = arith.constant 0 : i32
        %dma_wait3A_103 = tpu.memref_slice %arg12[%dma_wait3A_101, %dma_wait3A_102] : memref<10112x64xf32, #tpu.memory_space<vmem_shared>> -> memref<10112x64xf32, #tpu.memory_space<vmem_shared>>
        tpu.wait_indirect_dma semaphore(%arg14 : memref<!tpu.dma_semaphore, #tpu.memory_space<semaphore_mem>>) src(%arg11 : memref<128x64xf32, #tpu.memory_space<vmem>>) dst(%dma_wait3A_103 : memref<10112x64xf32, #tpu.memory_space<vmem_shared>>)
      } else {
      }
      %eq3A_48 = arith.constant 0 : i32
      %eq3A_49 = arith.cmpi eq, %rem3A_39, %eq3A_48 : i32
      %lt3A = arith.constant 78 : i32
      %lt3A_50 = arith.cmpi slt, %scan3A_38, %lt3A : i32
      %and3A_51 = arith.andi %eq3A_49, %lt3A_50 : i1
      %convert_element_type3A_52 = arith.extui %and3A_51 : i1 to i32
      %cond3A_53 = arith.constant 0 : i32
      %cond3A_54 = arith.cmpi ne, %convert_element_type3A_52, %cond3A_53 : i32
      scf.if %cond3A_54 {
        %add3A_97 = arith.constant 2 : i32
        %add3A_98 = arith.addi %scan3A_38, %add3A_97 : i32
        %dma_start3A_99 = arith.constant 0 : i32
        %dma_start3A_100 = tpu.memref_slice %arg7[%add3A_98, %dma_start3A_99] : memref<80x128xi32, #tpu.memory_space<vmem>> -> memref<1x128xi32, #tpu.memory_space<vmem>>
        %dma_start3A_101 = tpu.memref_squeeze %dma_start3A_100 : memref<1x128xi32, #tpu.memory_space<vmem>> -> memref<128xi32, #tpu.memory_space<vmem>>
        %dma_start3A_102 = arith.constant 0 : i32
        %dma_start3A_103 = arith.constant 0 : i32
        %dma_start3A_104 = tpu.memref_slice %arg4[%dma_start3A_102, %dma_start3A_103] : memref<10000x64xf32, #tpu.memory_space<hbm>> -> memref<10000x64xf32, #tpu.memory_space<hbm>>
        tpu.enqueue_indirect_dma source(%dma_start3A_104 : memref<10000x64xf32, #tpu.memory_space<hbm>>) target(%arg11 : memref<128x64xf32, #tpu.memory_space<vmem>>) offsets(%dma_start3A_101 : memref<128xi32, #tpu.memory_space<vmem>>) semaphore(%arg13 : memref<!tpu.dma_semaphore, #tpu.memory_space<semaphore_mem>>)
      } else {
      }
      %eq3A_55 = arith.constant 1 : i32
      %eq3A_56 = arith.cmpi eq, %rem3A_39, %eq3A_55 : i32
      %convert_element_type3A_57 = arith.extui %eq3A_56 : i1 to i32
      %cond3A_58 = arith.constant 0 : i32
      %cond3A_59 = arith.cmpi ne, %convert_element_type3A_57, %cond3A_58 : i32
      scf.if %cond3A_59 {
        %dma_wait3A_97 = arith.constant 0 : i32
        %dma_wait3A_98 = tpu.memref_slice %arg7[%scan3A_38, %dma_wait3A_97] : memref<80x128xi32, #tpu.memory_space<vmem>> -> memref<1x128xi32, #tpu.memory_space<vmem>>
        %dma_wait3A_99 = tpu.memref_squeeze %dma_wait3A_98 : memref<1x128xi32, #tpu.memory_space<vmem>> -> memref<128xi32, #tpu.memory_space<vmem>>
        %dma_wait3A_100 = arith.constant 0 : i32
        %dma_wait3A_101 = arith.constant 0 : i32
        %dma_wait3A_102 = tpu.memref_slice %arg4[%dma_wait3A_100, %dma_wait3A_101] : memref<10000x64xf32, #tpu.memory_space<hbm>> -> memref<10000x64xf32, #tpu.memory_space<hbm>>
        tpu.wait_indirect_dma semaphore(%arg13 : memref<!tpu.dma_semaphore, #tpu.memory_space<semaphore_mem>>) src(%dma_wait3A_102 : memref<10000x64xf32, #tpu.memory_space<hbm>>) dst(%arg10 : memref<128x64xf32, #tpu.memory_space<vmem>>)
        %dma_start3A_103 = arith.constant 0 : i32
        %dma_start3A_104 = tpu.memref_slice %arg8[%scan3A_38, %dma_start3A_103] : memref<80x128xi32, #tpu.memory_space<vmem>> -> memref<1x128xi32, #tpu.memory_space<vmem>>
        %dma_start3A_105 = tpu.memref_squeeze %dma_start3A_104 : memref<1x128xi32, #tpu.memory_space<vmem>> -> memref<128xi32, #tpu.memory_space<vmem>>
        %dma_start3A_106 = arith.constant 0 : i32
        %dma_start3A_107 = arith.constant 0 : i32
        %dma_start3A_108 = tpu.memref_slice %arg12[%dma_start3A_106, %dma_start3A_107] : memref<10112x64xf32, #tpu.memory_space<vmem_shared>> -> memref<10112x64xf32, #tpu.memory_space<vmem_shared>>
        tpu.enqueue_indirect_dma source(%arg10 : memref<128x64xf32, #tpu.memory_space<vmem>>) target(%dma_start3A_108 : memref<10112x64xf32, #tpu.memory_space<vmem_shared>>) offsets(%dma_start3A_105 : memref<128xi32, #tpu.memory_space<vmem>>) semaphore(%arg14 : memref<!tpu.dma_semaphore, #tpu.memory_space<semaphore_mem>>) {add = true}
      } else {
      }
      %eq3A_60 = arith.constant 1 : i32
      %eq3A_61 = arith.cmpi eq, %rem3A_39, %eq3A_60 : i32
      %ge3A_62 = arith.constant 1 : i32
      %ge3A_63 = arith.cmpi sge, %scan3A_38, %ge3A_62 : i32
      %and3A_64 = arith.andi %eq3A_61, %ge3A_63 : i1
      %convert_element_type3A_65 = arith.extui %and3A_64 : i1 to i32
      %cond3A_66 = arith.constant 0 : i32
      %cond3A_67 = arith.cmpi ne, %convert_element_type3A_65, %cond3A_66 : i32
      scf.if %cond3A_67 {
        %sub3A = arith.constant 1 : i32
        %sub3A_97 = arith.subi %scan3A_38, %sub3A : i32
        %dma_wait3A_98 = arith.constant 0 : i32
        %dma_wait3A_99 = tpu.memref_slice %arg8[%sub3A_97, %dma_wait3A_98] : memref<80x128xi32, #tpu.memory_space<vmem>> -> memref<1x128xi32, #tpu.memory_space<vmem>>
        %dma_wait3A_100 = tpu.memref_squeeze %dma_wait3A_99 : memref<1x128xi32, #tpu.memory_space<vmem>> -> memref<128xi32, #tpu.memory_space<vmem>>
        %dma_wait3A_101 = arith.constant 0 : i32
        %dma_wait3A_102 = arith.constant 0 : i32
        %dma_wait3A_103 = tpu.memref_slice %arg12[%dma_wait3A_101, %dma_wait3A_102] : memref<10112x64xf32, #tpu.memory_space<vmem_shared>> -> memref<10112x64xf32, #tpu.memory_space<vmem_shared>>
        tpu.wait_indirect_dma semaphore(%arg14 : memref<!tpu.dma_semaphore, #tpu.memory_space<semaphore_mem>>) src(%arg9 : memref<128x64xf32, #tpu.memory_space<vmem>>) dst(%dma_wait3A_103 : memref<10112x64xf32, #tpu.memory_space<vmem_shared>>)
      } else {
      }
      %eq3A_68 = arith.constant 1 : i32
      %eq3A_69 = arith.cmpi eq, %rem3A_39, %eq3A_68 : i32
      %lt3A_70 = arith.constant 78 : i32
      %lt3A_71 = arith.cmpi slt, %scan3A_38, %lt3A_70 : i32
      %and3A_72 = arith.andi %eq3A_69, %lt3A_71 : i1
      %convert_element_type3A_73 = arith.extui %and3A_72 : i1 to i32
      %cond3A_74 = arith.constant 0 : i32
      %cond3A_75 = arith.cmpi ne, %convert_element_type3A_73, %cond3A_74 : i32
      scf.if %cond3A_75 {
        %add3A_97 = arith.constant 2 : i32
        %add3A_98 = arith.addi %scan3A_38, %add3A_97 : i32
        %dma_start3A_99 = arith.constant 0 : i32
        %dma_start3A_100 = tpu.memref_slice %arg7[%add3A_98, %dma_start3A_99] : memref<80x128xi32, #tpu.memory_space<vmem>> -> memref<1x128xi32, #tpu.memory_space<vmem>>
        %dma_start3A_101 = tpu.memref_squeeze %dma_start3A_100 : memref<1x128xi32, #tpu.memory_space<vmem>> -> memref<128xi32, #tpu.memory_space<vmem>>
        %dma_start3A_102 = arith.constant 0 : i32
        %dma_start3A_103 = arith.constant 0 : i32
        %dma_start3A_104 = tpu.memref_slice %arg4[%dma_start3A_102, %dma_start3A_103] : memref<10000x64xf32, #tpu.memory_space<hbm>> -> memref<10000x64xf32, #tpu.memory_space<hbm>>
        tpu.enqueue_indirect_dma source(%dma_start3A_104 : memref<10000x64xf32, #tpu.memory_space<hbm>>) target(%arg9 : memref<128x64xf32, #tpu.memory_space<vmem>>) offsets(%dma_start3A_101 : memref<128xi32, #tpu.memory_space<vmem>>) semaphore(%arg13 : memref<!tpu.dma_semaphore, #tpu.memory_space<semaphore_mem>>)
      } else {
      }
      %eq3A_76 = arith.constant 2 : i32
      %eq3A_77 = arith.cmpi eq, %rem3A_39, %eq3A_76 : i32
      %convert_element_type3A_78 = arith.extui %eq3A_77 : i1 to i32
      %cond3A_79 = arith.constant 0 : i32
      %cond3A_80 = arith.cmpi ne, %convert_element_type3A_78, %cond3A_79 : i32
      scf.if %cond3A_80 {
        %dma_wait3A_97 = arith.constant 0 : i32
        %dma_wait3A_98 = tpu.memref_slice %arg7[%scan3A_38, %dma_wait3A_97] : memref<80x128xi32, #tpu.memory_space<vmem>> -> memref<1x128xi32, #tpu.memory_space<vmem>>
        %dma_wait3A_99 = tpu.memref_squeeze %dma_wait3A_98 : memref<1x128xi32, #tpu.memory_space<vmem>> -> memref<128xi32, #tpu.memory_space<vmem>>
        %dma_wait3A_100 = arith.constant 0 : i32
        %dma_wait3A_101 = arith.constant 0 : i32
        %dma_wait3A_102 = tpu.memref_slice %arg4[%dma_wait3A_100, %dma_wait3A_101] : memref<10000x64xf32, #tpu.memory_space<hbm>> -> memref<10000x64xf32, #tpu.memory_space<hbm>>
        tpu.wait_indirect_dma semaphore(%arg13 : memref<!tpu.dma_semaphore, #tpu.memory_space<semaphore_mem>>) src(%dma_wait3A_102 : memref<10000x64xf32, #tpu.memory_space<hbm>>) dst(%arg11 : memref<128x64xf32, #tpu.memory_space<vmem>>)
        %dma_start3A_103 = arith.constant 0 : i32
        %dma_start3A_104 = tpu.memref_slice %arg8[%scan3A_38, %dma_start3A_103] : memref<80x128xi32, #tpu.memory_space<vmem>> -> memref<1x128xi32, #tpu.memory_space<vmem>>
        %dma_start3A_105 = tpu.memref_squeeze %dma_start3A_104 : memref<1x128xi32, #tpu.memory_space<vmem>> -> memref<128xi32, #tpu.memory_space<vmem>>
        %dma_start3A_106 = arith.constant 0 : i32
        %dma_start3A_107 = arith.constant 0 : i32
        %dma_start3A_108 = tpu.memref_slice %arg12[%dma_start3A_106, %dma_start3A_107] : memref<10112x64xf32, #tpu.memory_space<vmem_shared>> -> memref<10112x64xf32, #tpu.memory_space<vmem_shared>>
        tpu.enqueue_indirect_dma source(%arg11 : memref<128x64xf32, #tpu.memory_space<vmem>>) target(%dma_start3A_108 : memref<10112x64xf32, #tpu.memory_space<vmem_shared>>) offsets(%dma_start3A_105 : memref<128xi32, #tpu.memory_space<vmem>>) semaphore(%arg14 : memref<!tpu.dma_semaphore, #tpu.memory_space<semaphore_mem>>) {add = true}
      } else {
      }
      %eq3A_81 = arith.constant 2 : i32
      %eq3A_82 = arith.cmpi eq, %rem3A_39, %eq3A_81 : i32
      %ge3A_83 = arith.constant 1 : i32
      %ge3A_84 = arith.cmpi sge, %scan3A_38, %ge3A_83 : i32
      %and3A_85 = arith.andi %eq3A_82, %ge3A_84 : i1
      %convert_element_type3A_86 = arith.extui %and3A_85 : i1 to i32
      %cond3A_87 = arith.constant 0 : i32
      %cond3A_88 = arith.cmpi ne, %convert_element_type3A_86, %cond3A_87 : i32
      scf.if %cond3A_88 {
        %sub3A = arith.constant 1 : i32
        %sub3A_97 = arith.subi %scan3A_38, %sub3A : i32
        %dma_wait3A_98 = arith.constant 0 : i32
        %dma_wait3A_99 = tpu.memref_slice %arg8[%sub3A_97, %dma_wait3A_98] : memref<80x128xi32, #tpu.memory_space<vmem>> -> memref<1x128xi32, #tpu.memory_space<vmem>>
        %dma_wait3A_100 = tpu.memref_squeeze %dma_wait3A_99 : memref<1x128xi32, #tpu.memory_space<vmem>> -> memref<128xi32, #tpu.memory_space<vmem>>
        %dma_wait3A_101 = arith.constant 0 : i32
        %dma_wait3A_102 = arith.constant 0 : i32
        %dma_wait3A_103 = tpu.memref_slice %arg12[%dma_wait3A_101, %dma_wait3A_102] : memref<10112x64xf32, #tpu.memory_space<vmem_shared>> -> memref<10112x64xf32, #tpu.memory_space<vmem_shared>>
        tpu.wait_indirect_dma semaphore(%arg14 : memref<!tpu.dma_semaphore, #tpu.memory_space<semaphore_mem>>) src(%arg10 : memref<128x64xf32, #tpu.memory_space<vmem>>) dst(%dma_wait3A_103 : memref<10112x64xf32, #tpu.memory_space<vmem_shared>>)
      } else {
      }
      %eq3A_89 = arith.constant 2 : i32
      %eq3A_90 = arith.cmpi eq, %rem3A_39, %eq3A_89 : i32
      %lt3A_91 = arith.constant 78 : i32
      %lt3A_92 = arith.cmpi slt, %scan3A_38, %lt3A_91 : i32
      %and3A_93 = arith.andi %eq3A_90, %lt3A_92 : i1
      %convert_element_type3A_94 = arith.extui %and3A_93 : i1 to i32
      %cond3A_95 = arith.constant 0 : i32
      %cond3A_96 = arith.cmpi ne, %convert_element_type3A_94, %cond3A_95 : i32
      scf.if %cond3A_96 {
        %add3A_97 = arith.constant 2 : i32
        %add3A_98 = arith.addi %scan3A_38, %add3A_97 : i32
        %dma_start3A_99 = arith.constant 0 : i32
        %dma_start3A_100 = tpu.memref_slice %arg7[%add3A_98, %dma_start3A_99] : memref<80x128xi32, #tpu.memory_space<vmem>> -> memref<1x128xi32, #tpu.memory_space<vmem>>
        %dma_start3A_101 = tpu.memref_squeeze %dma_start3A_100 : memref<1x128xi32, #tpu.memory_space<vmem>> -> memref<128xi32, #tpu.memory_space<vmem>>
        %dma_start3A_102 = arith.constant 0 : i32
        %dma_start3A_103 = arith.constant 0 : i32
        %dma_start3A_104 = tpu.memref_slice %arg4[%dma_start3A_102, %dma_start3A_103] : memref<10000x64xf32, #tpu.memory_space<hbm>> -> memref<10000x64xf32, #tpu.memory_space<hbm>>
        tpu.enqueue_indirect_dma source(%dma_start3A_104 : memref<10000x64xf32, #tpu.memory_space<hbm>>) target(%arg10 : memref<128x64xf32, #tpu.memory_space<vmem>>) offsets(%dma_start3A_101 : memref<128xi32, #tpu.memory_space<vmem>>) semaphore(%arg13 : memref<!tpu.dma_semaphore, #tpu.memory_space<semaphore_mem>>)
      } else {
      }
    }
    %scan3A_26 = arith.constant 80 : i32
    %dma_wait3A = arith.constant 79 : i32
    %dma_wait3A_27 = arith.constant 0 : i32
    %dma_wait3A_28 = tpu.memref_slice %arg8[%dma_wait3A, %dma_wait3A_27] : memref<80x128xi32, #tpu.memory_space<vmem>> -> memref<1x128xi32, #tpu.memory_space<vmem>>
    %dma_wait3A_29 = tpu.memref_squeeze %dma_wait3A_28 : memref<1x128xi32, #tpu.memory_space<vmem>> -> memref<128xi32, #tpu.memory_space<vmem>>
    %dma_wait3A_30 = arith.constant 0 : i32
    %dma_wait3A_31 = arith.constant 0 : i32
    %dma_wait3A_32 = tpu.memref_slice %arg12[%dma_wait3A_30, %dma_wait3A_31] : memref<10112x64xf32, #tpu.memory_space<vmem_shared>> -> memref<10112x64xf32, #tpu.memory_space<vmem_shared>>
    tpu.wait_indirect_dma semaphore(%arg14 : memref<!tpu.dma_semaphore, #tpu.memory_space<semaphore_mem>>) src(%arg10 : memref<128x64xf32, #tpu.memory_space<vmem>>) dst(%dma_wait3A_32 : memref<10112x64xf32, #tpu.memory_space<vmem_shared>>)
    %barrier3A_33 = arith.constant 0 : index
    tpu.barrier barrier_id(%barrier3A_33)
    %mul3A_34 = arith.constant 632 : i32
    %mul3A_35 = arith.muli %arg1, %mul3A_34 : i32
    %mul3A_36 = arith.constant 632 : i32
    %mul3A_37 = arith.muli %arg1, %mul3A_36 : i32
    "tpu.region"() ({
      %run_scoped3A = tpu.sem_alloc : memref<!tpu.dma_semaphore, #tpu.memory_space<semaphore_mem>>
      %dma_start3A_38 = arith.constant 0 : i32
      %dma_start3A_39 = tpu.memref_slice %arg6[%arg0, %mul3A_37, %dma_start3A_38] : memref<2x10112x64xf32, #tpu.memory_space<hbm>> -> memref<1x632x64xf32, #tpu.memory_space<hbm>>
      %dma_start3A_40 = tpu.memref_squeeze %dma_start3A_39 : memref<1x632x64xf32, #tpu.memory_space<hbm>> -> memref<632x64xf32, #tpu.memory_space<hbm>>
      %dma_start3A_41 = arith.constant 0 : i32
      %dma_start3A_42 = tpu.memref_slice %arg12[%mul3A_35, %dma_start3A_41] : memref<10112x64xf32, #tpu.memory_space<vmem_shared>> -> memref<632x64xf32, #tpu.memory_space<vmem_shared>>
      tpu.enqueue_dma source(%dma_start3A_42 : memref<632x64xf32, #tpu.memory_space<vmem_shared>>) target(%dma_start3A_40 : memref<632x64xf32, #tpu.memory_space<hbm>>) target_semaphore(%run_scoped3A : memref<!tpu.dma_semaphore, #tpu.memory_space<semaphore_mem>>)
      %dma_wait3A_43 = arith.constant 0 : i32
      %dma_wait3A_44 = tpu.memref_slice %arg6[%arg0, %mul3A_37, %dma_wait3A_43] : memref<2x10112x64xf32, #tpu.memory_space<hbm>> -> memref<1x632x64xf32, #tpu.memory_space<hbm>>
      %dma_wait3A_45 = tpu.memref_squeeze %dma_wait3A_44 : memref<1x632x64xf32, #tpu.memory_space<hbm>> -> memref<632x64xf32, #tpu.memory_space<hbm>>
      %dma_wait3A_46 = arith.constant 0 : i32
      %dma_wait3A_47 = tpu.memref_slice %arg12[%mul3A_35, %dma_wait3A_46] : memref<10112x64xf32, #tpu.memory_space<vmem_shared>> -> memref<632x64xf32, #tpu.memory_space<vmem_shared>>
      tpu.wait_dma2 semaphore(%run_scoped3A : memref<!tpu.dma_semaphore, #tpu.memory_space<semaphore_mem>>) src(%dma_wait3A_47 : memref<632x64xf32, #tpu.memory_space<vmem_shared>>) dst(%dma_wait3A_45 : memref<632x64xf32, #tpu.memory_space<hbm>>)
      tpu.yield
    }) : () -> ()
    return
  }
}

module attributes {stable_mosaic.version = 14 : i64} {
  func.func @_tc_scale_body(%arg0: i32, %arg1: memref<2x1000x1xf32, #tpu.memory_space<vmem>>, %arg2: memref<1000x128xf32, #tpu.memory_space<vmem>>, %arg3: memref<128x64xf32, #tpu.memory_space<vmem>>, %arg4: memref<1000x1xf32, #tpu.memory_space<vmem>>, %arg5: memref<1000x64xf32, #tpu.memory_space<vmem>>) attributes {dimension_semantics = [#tpu.dimension_semantics<arbitrary>], iteration_bounds = array<i64: 10>, scalar_prefetch = 0 : i64, scratch_operands = 0 : i64, tpu.core_type = #tpu.core_type<tc>, window_params = [{transform_indices = @transform_0, window_bounds = array<i64: 2, 1000, 1>}, {transform_indices = @transform_1, window_bounds = array<i64: 1000, 128>}, {pipeline_mode = #tpu.pipeline_mode<synchronous>, transform_indices = @transform_2, window_bounds = array<i64: 128, 64>}, {transform_indices = @transform_3, window_bounds = array<i64: 1000, 1>}, {transform_indices = @transform_4, window_bounds = array<i64: 1000, 64>}]} {
    %get3A = arith.constant 0 : index
    %get3A_0 = arith.constant 0 : index
    %get3A_1 = arith.constant 0 : index
    %get3A_2 = vector.load %arg1[%get3A, %get3A_0, %get3A_1] : memref<2x1000x1xf32, #tpu.memory_space<vmem>>, vector<1x1000x1xf32>
    %get3A_3 = vector.shape_cast %get3A_2 : vector<1x1000x1xf32> to vector<1000x1xf32>
    %get3A_4 = arith.constant 1 : index
    %get3A_5 = arith.constant 0 : index
    %get3A_6 = arith.constant 0 : index
    %get3A_7 = vector.load %arg1[%get3A_4, %get3A_5, %get3A_6] : memref<2x1000x1xf32, #tpu.memory_space<vmem>>, vector<1x1000x1xf32>
    %get3A_8 = vector.shape_cast %get3A_7 : vector<1x1000x1xf32> to vector<1000x1xf32>
    %add3A = arith.addf %get3A_3, %get3A_8 : vector<1000x1xf32>
    %add3A_9 = arith.constant 1.000000e+00 : f32
    %add3A_10 = vector.broadcast %add3A_9 : f32 to vector<1000x1xf32>
    %add3A_11 = arith.addf %add3A, %add3A_10 : vector<1000x1xf32>
    %rsqrt3A = math.rsqrt %add3A_11 : vector<1000x1xf32>
    %get3A_12 = arith.constant 0 : index
    %get3A_13 = arith.constant 0 : index
    %get3A_14 = vector.load %arg2[%get3A_12, %get3A_13] : memref<1000x128xf32, #tpu.memory_space<vmem>>, vector<1000x128xf32>
    %get3A_15 = arith.constant 0 : index
    %get3A_16 = arith.constant 0 : index
    %get3A_17 = vector.load %arg3[%get3A_15, %get3A_16] : memref<128x64xf32, #tpu.memory_space<vmem>>, vector<128x64xf32>
    %dot_general3A = arith.constant dense<0.000000e+00> : vector<1000x64xf32>
    %dot_general3A_18 = tpu.matmul %get3A_14, %get3A_17, %dot_general3A {dimension_numbers = #tpu.dot_dimension_numbers<[1], [0], [0], [1], [0, 0, 1, 1], [], []>, transpose_lhs_hint = false} : vector<1000x128xf32>, vector<128x64xf32>, vector<1000x64xf32> -> vector<1000x64xf32>
    %swap3A = arith.constant 0 : index
    %swap3A_19 = arith.constant 0 : index
    %swap3A_20 = vector.load %arg4[%swap3A, %swap3A_19] : memref<1000x1xf32, #tpu.memory_space<vmem>>, vector<1000x1xf32>
    tpu.vector_store %arg4[%swap3A, %swap3A_19], %rsqrt3A {strides = array<i32>} : memref<1000x1xf32, #tpu.memory_space<vmem>>, vector<1000x1xf32>,
    %mul3A = vector.broadcast %rsqrt3A : vector<1000x1xf32> to vector<1000x64xf32>
    %mul3A_21 = arith.mulf %dot_general3A_18, %mul3A : vector<1000x64xf32>
    %swap3A_22 = arith.constant 0 : index
    %swap3A_23 = arith.constant 0 : index
    %swap3A_24 = vector.load %arg5[%swap3A_22, %swap3A_23] : memref<1000x64xf32, #tpu.memory_space<vmem>>, vector<1000x64xf32>
    tpu.vector_store %arg5[%swap3A_22, %swap3A_23], %mul3A_21 {strides = array<i32>} : memref<1000x64xf32, #tpu.memory_space<vmem>>, vector<1000x64xf32>,
    return
  }
  func.func @transform_0(%arg0: i32) -> (i32, i32, i32) {
    %c0_i32 = arith.constant 0 : i32
    %c0_i32_0 = arith.constant 0 : i32
    %c0_i32_1 = arith.constant 0 : i32
    return %c0_i32, %arg0, %c0_i32_0 : i32, i32, i32
  }
  func.func @transform_1(%arg0: i32) -> (i32, i32) {
    %c0_i32 = arith.constant 0 : i32
    %c0_i32_0 = arith.constant 0 : i32
    return %arg0, %c0_i32 : i32, i32
  }
  func.func @transform_2(%arg0: i32) -> (i32, i32) {
    %c0_i32 = arith.constant 0 : i32
    %c0_i32_0 = arith.constant 0 : i32
    %c0_i32_1 = arith.constant 0 : i32
    return %c0_i32, %c0_i32_0 : i32, i32
  }
  func.func @transform_3(%arg0: i32) -> (i32, i32) {
    %c0_i32 = arith.constant 0 : i32
    %c0_i32_0 = arith.constant 0 : i32
    return %arg0, %c0_i32 : i32, i32
  }
  func.func @transform_4(%arg0: i32) -> (i32, i32) {
    %c0_i32 = arith.constant 0 : i32
    %c0_i32_0 = arith.constant 0 : i32
    return %arg0, %c0_i32 : i32, i32
  }
}

module attributes {stable_mosaic.version = 14 : i64} {
  func.func @_tc_mid_body(%arg0: i32, %arg1: memref<2x1000x64xf32, #tpu.memory_space<vmem>>, %arg2: memref<1000x64xf32, #tpu.memory_space<vmem>>, %arg3: memref<1000x1xf32, #tpu.memory_space<vmem>>, %arg4: memref<1x64xf32, #tpu.memory_space<vmem>>, %arg5: memref<64x64xf32, #tpu.memory_space<vmem>>, %arg6: memref<1000x64xf32, #tpu.memory_space<vmem>>) attributes {dimension_semantics = [#tpu.dimension_semantics<arbitrary>], iteration_bounds = array<i64: 10>, scalar_prefetch = 0 : i64, scratch_operands = 0 : i64, tpu.core_type = #tpu.core_type<tc>, window_params = [{transform_indices = @transform_0, window_bounds = array<i64: 2, 1000, 64>}, {transform_indices = @transform_1, window_bounds = array<i64: 1000, 64>}, {transform_indices = @transform_2, window_bounds = array<i64: 1000, 1>}, {pipeline_mode = #tpu.pipeline_mode<synchronous>, transform_indices = @transform_3, window_bounds = array<i64: 1, 64>}, {pipeline_mode = #tpu.pipeline_mode<synchronous>, transform_indices = @transform_4, window_bounds = array<i64: 64, 64>}, {transform_indices = @transform_5, window_bounds = array<i64: 1000, 64>}]} {
    %get3A = arith.constant 0 : index
    %get3A_0 = arith.constant 0 : index
    %get3A_1 = vector.load %arg3[%get3A, %get3A_0] : memref<1000x1xf32, #tpu.memory_space<vmem>>, vector<1000x1xf32>
    %get3A_2 = arith.constant 0 : index
    %get3A_3 = arith.constant 0 : index
    %get3A_4 = arith.constant 0 : index
    %get3A_5 = vector.load %arg1[%get3A_2, %get3A_3, %get3A_4] : memref<2x1000x64xf32, #tpu.memory_space<vmem>>, vector<1x1000x64xf32>
    %get3A_6 = vector.shape_cast %get3A_5 : vector<1x1000x64xf32> to vector<1000x64xf32>
    %get3A_7 = arith.constant 1 : index
    %get3A_8 = arith.constant 0 : index
    %get3A_9 = arith.constant 0 : index
    %get3A_10 = vector.load %arg1[%get3A_7, %get3A_8, %get3A_9] : memref<2x1000x64xf32, #tpu.memory_space<vmem>>, vector<1x1000x64xf32>
    %get3A_11 = vector.shape_cast %get3A_10 : vector<1x1000x64xf32> to vector<1000x64xf32>
    %add3A = arith.addf %get3A_6, %get3A_11 : vector<1000x64xf32>
    %get3A_12 = arith.constant 0 : index
    %get3A_13 = arith.constant 0 : index
    %get3A_14 = vector.load %arg2[%get3A_12, %get3A_13] : memref<1000x64xf32, #tpu.memory_space<vmem>>, vector<1000x64xf32>
    %add3A_15 = arith.addf %add3A, %get3A_14 : vector<1000x64xf32>
    %mul3A = vector.broadcast %get3A_1 : vector<1000x1xf32> to vector<1000x64xf32>
    %mul3A_16 = arith.mulf %mul3A, %add3A_15 : vector<1000x64xf32>
    %get3A_17 = arith.constant 0 : index
    %get3A_18 = arith.constant 0 : index
    %get3A_19 = vector.load %arg4[%get3A_17, %get3A_18] : memref<1x64xf32, #tpu.memory_space<vmem>>, vector<1x64xf32>
    %add3A_20 = vector.broadcast %get3A_19 : vector<1x64xf32> to vector<1000x64xf32>
    %add3A_21 = arith.addf %mul3A_16, %add3A_20 : vector<1000x64xf32>
    %max3A = arith.constant 0.000000e+00 : f32
    %max3A_22 = vector.broadcast %max3A : f32 to vector<1000x64xf32>
    %max3A_23 = arith.maximumf %add3A_21, %max3A_22 : vector<1000x64xf32>
    %get3A_24 = arith.constant 0 : index
    %get3A_25 = arith.constant 0 : index
    %get3A_26 = vector.load %arg5[%get3A_24, %get3A_25] : memref<64x64xf32, #tpu.memory_space<vmem>>, vector<64x64xf32>
    %dot_general3A = arith.constant dense<0.000000e+00> : vector<1000x64xf32>
    %dot_general3A_27 = tpu.matmul %max3A_23, %get3A_26, %dot_general3A {dimension_numbers = #tpu.dot_dimension_numbers<[1], [0], [0], [1], [0, 0, 1, 1], [], []>, transpose_lhs_hint = false} : vector<1000x64xf32>, vector<64x64xf32>, vector<1000x64xf32> -> vector<1000x64xf32>
    %mul3A_28 = vector.broadcast %get3A_1 : vector<1000x1xf32> to vector<1000x64xf32>
    %mul3A_29 = arith.mulf %dot_general3A_27, %mul3A_28 : vector<1000x64xf32>
    %swap3A = arith.constant 0 : index
    %swap3A_30 = arith.constant 0 : index
    %swap3A_31 = vector.load %arg6[%swap3A, %swap3A_30] : memref<1000x64xf32, #tpu.memory_space<vmem>>, vector<1000x64xf32>
    tpu.vector_store %arg6[%swap3A, %swap3A_30], %mul3A_29 {strides = array<i32>} : memref<1000x64xf32, #tpu.memory_space<vmem>>, vector<1000x64xf32>,
    return
  }
  func.func @transform_0(%arg0: i32) -> (i32, i32, i32) {
    %c0_i32 = arith.constant 0 : i32
    %c0_i32_0 = arith.constant 0 : i32
    %c0_i32_1 = arith.constant 0 : i32
    return %c0_i32, %arg0, %c0_i32_0 : i32, i32, i32
  }
  func.func @transform_1(%arg0: i32) -> (i32, i32) {
    %c0_i32 = arith.constant 0 : i32
    %c0_i32_0 = arith.constant 0 : i32
    return %arg0, %c0_i32 : i32, i32
  }
  func.func @transform_2(%arg0: i32) -> (i32, i32) {
    %c0_i32 = arith.constant 0 : i32
    %c0_i32_0 = arith.constant 0 : i32
    return %arg0, %c0_i32 : i32, i32
  }
  func.func @transform_3(%arg0: i32) -> (i32, i32) {
    %c0_i32 = arith.constant 0 : i32
    %c0_i32_0 = arith.constant 0 : i32
    %c0_i32_1 = arith.constant 0 : i32
    return %c0_i32, %c0_i32_0 : i32, i32
  }
  func.func @transform_4(%arg0: i32) -> (i32, i32) {
    %c0_i32 = arith.constant 0 : i32
    %c0_i32_0 = arith.constant 0 : i32
    %c0_i32_1 = arith.constant 0 : i32
    return %c0_i32, %c0_i32_0 : i32, i32
  }
  func.func @transform_5(%arg0: i32) -> (i32, i32) {
    %c0_i32 = arith.constant 0 : i32
    %c0_i32_0 = arith.constant 0 : i32
    return %arg0, %c0_i32 : i32, i32
  }
}

module attributes {stable_mosaic.version = 14 : i64} {
  func.func @_tc_head_body(%arg0: i32, %arg1: memref<2x10000x64xf32, #tpu.memory_space<vmem>>, %arg2: memref<10000x64xf32, #tpu.memory_space<vmem>>, %arg3: memref<10000x1xf32, #tpu.memory_space<vmem>>, %arg4: memref<1x64xf32, #tpu.memory_space<vmem>>, %arg5: memref<1x10000xi32, #tpu.memory_space<vmem>>, %arg6: memref<64x64xf32, #tpu.memory_space<vmem>>, %arg7: memref<1x64xf32, #tpu.memory_space<vmem>>, %arg8: memref<64x10xf32, #tpu.memory_space<vmem>>, %arg9: memref<1x10xf32, #tpu.memory_space<vmem>>, %arg10: memref<128x10xf32, #tpu.memory_space<vmem>>) attributes {dimension_semantics = [#tpu.dimension_semantics<arbitrary>], iteration_bounds = array<i64: 1>, scalar_prefetch = 0 : i64, scratch_operands = 0 : i64, tpu.core_type = #tpu.core_type<tc>, window_params = [{transform_indices = @transform_0, window_bounds = array<i64: 2, 10000, 64>}, {pipeline_mode = #tpu.pipeline_mode<synchronous>, transform_indices = @transform_1, window_bounds = array<i64: 10000, 64>}, {pipeline_mode = #tpu.pipeline_mode<synchronous>, transform_indices = @transform_2, window_bounds = array<i64: 10000, 1>}, {pipeline_mode = #tpu.pipeline_mode<synchronous>, transform_indices = @transform_3, window_bounds = array<i64: 1, 64>}, {pipeline_mode = #tpu.pipeline_mode<synchronous>, transform_indices = @transform_4, window_bounds = array<i64: 1, 10000>}, {pipeline_mode = #tpu.pipeline_mode<synchronous>, transform_indices = @transform_5, window_bounds = array<i64: 64, 64>}, {pipeline_mode = #tpu.pipeline_mode<synchronous>, transform_indices = @transform_6, window_bounds = array<i64: 1, 64>}, {pipeline_mode = #tpu.pipeline_mode<synchronous>, transform_indices = @transform_7, window_bounds = array<i64: 64, 10>}, {pipeline_mode = #tpu.pipeline_mode<synchronous>, transform_indices = @transform_8, window_bounds = array<i64: 1, 10>}, {pipeline_mode = #tpu.pipeline_mode<synchronous>, transform_indices = @transform_9, window_bounds = array<i64: 128, 10>}]} {
    %get3A = arith.constant 0 : index
    %get3A_0 = arith.constant 0 : index
    %get3A_1 = vector.load %arg3[%get3A, %get3A_0] : memref<10000x1xf32, #tpu.memory_space<vmem>>, vector<10000x1xf32>
    %get3A_2 = arith.constant 0 : index
    %get3A_3 = arith.constant 0 : index
    %get3A_4 = arith.constant 0 : index
    %get3A_5 = vector.load %arg1[%get3A_2, %get3A_3, %get3A_4] : memref<2x10000x64xf32, #tpu.memory_space<vmem>>, vector<1x10000x64xf32>
    %get3A_6 = vector.shape_cast %get3A_5 : vector<1x10000x64xf32> to vector<10000x64xf32>
    %get3A_7 = arith.constant 1 : index
    %get3A_8 = arith.constant 0 : index
    %get3A_9 = arith.constant 0 : index
    %get3A_10 = vector.load %arg1[%get3A_7, %get3A_8, %get3A_9] : memref<2x10000x64xf32, #tpu.memory_space<vmem>>, vector<1x10000x64xf32>
    %get3A_11 = vector.shape_cast %get3A_10 : vector<1x10000x64xf32> to vector<10000x64xf32>
    %add3A = arith.addf %get3A_6, %get3A_11 : vector<10000x64xf32>
    %get3A_12 = arith.constant 0 : index
    %get3A_13 = arith.constant 0 : index
    %get3A_14 = vector.load %arg2[%get3A_12, %get3A_13] : memref<10000x64xf32, #tpu.memory_space<vmem>>, vector<10000x64xf32>
    %add3A_15 = arith.addf %add3A, %get3A_14 : vector<10000x64xf32>
    %mul3A = vector.broadcast %get3A_1 : vector<10000x1xf32> to vector<10000x64xf32>
    %mul3A_16 = arith.mulf %mul3A, %add3A_15 : vector<10000x64xf32>
    %get3A_17 = arith.constant 0 : index
    %get3A_18 = arith.constant 0 : index
    %get3A_19 = vector.load %arg4[%get3A_17, %get3A_18] : memref<1x64xf32, #tpu.memory_space<vmem>>, vector<1x64xf32>
    %add3A_20 = vector.broadcast %get3A_19 : vector<1x64xf32> to vector<10000x64xf32>
    %add3A_21 = arith.addf %mul3A_16, %add3A_20 : vector<10000x64xf32>
    %max3A = arith.constant 0.000000e+00 : f32
    %max3A_22 = vector.broadcast %max3A : f32 to vector<10000x64xf32>
    %max3A_23 = arith.maximumf %add3A_21, %max3A_22 : vector<10000x64xf32>
    %iota3A = tpu.iota {dimensions = array<i32: 0>} : vector<128x10000xi32>
    %get3A_24 = arith.constant 0 : index
    %get3A_25 = arith.constant 0 : index
    %get3A_26 = vector.load %arg5[%get3A_24, %get3A_25] : memref<1x10000xi32, #tpu.memory_space<vmem>>, vector<1x10000xi32>
    %eq3A = vector.broadcast %get3A_26 : vector<1x10000xi32> to vector<128x10000xi32>
    %eq3A_27 = arith.cmpi eq, %iota3A, %eq3A : vector<128x10000xi32>
    %jit3A = arith.constant 1.000000e+00 : f32
    %jit3A_28 = arith.constant 0.000000e+00 : f32
    %broadcast_in_dim3A = vector.broadcast %jit3A : f32 to vector<128x10000xf32>
    %broadcast_in_dim3A_29 = vector.broadcast %jit3A_28 : f32 to vector<128x10000xf32>
    %select_n3A = arith.select %eq3A_27, %broadcast_in_dim3A, %broadcast_in_dim3A_29 : vector<128x10000xi1>, vector<128x10000xf32>
    %dot_general3A = arith.constant dense<0.000000e+00> : vector<128x64xf32>
    %dot_general3A_30 = tpu.matmul %select_n3A, %max3A_23, %dot_general3A {dimension_numbers = #tpu.dot_dimension_numbers<[1], [0], [0], [1], [0, 0, 1, 1], [], []>, transpose_lhs_hint = false} : vector<128x10000xf32>, vector<10000x64xf32>, vector<128x64xf32> -> vector<128x64xf32>
    %reduce_sum3A = arith.constant dense<0.000000e+00> : vector<128xf32>
    %reduce_sum3A_31 = vector.multi_reduction <add>, %select_n3A, %reduce_sum3A [1] : vector<128x10000xf32> to vector<128xf32>
    %broadcast_in_dim3A_32 = vector.shape_cast %reduce_sum3A_31 : vector<128xf32> to vector<128x1xf32>
    %max3A_33 = arith.constant 1.000000e+00 : f32
    %max3A_34 = vector.broadcast %max3A_33 : f32 to vector<128x1xf32>
    %max3A_35 = arith.maximumf %broadcast_in_dim3A_32, %max3A_34 : vector<128x1xf32>
    %div3A = vector.broadcast %max3A_35 : vector<128x1xf32> to vector<128x64xf32>
    %div3A_36 = arith.divf %dot_general3A_30, %div3A : vector<128x64xf32>
    %get3A_37 = arith.constant 0 : index
    %get3A_38 = arith.constant 0 : index
    %get3A_39 = vector.load %arg6[%get3A_37, %get3A_38] : memref<64x64xf32, #tpu.memory_space<vmem>>, vector<64x64xf32>
    %dot_general3A_40 = arith.constant dense<0.000000e+00> : vector<128x64xf32>
    %dot_general3A_41 = tpu.matmul %div3A_36, %get3A_39, %dot_general3A_40 {dimension_numbers = #tpu.dot_dimension_numbers<[1], [0], [0], [1], [0, 0, 1, 1], [], []>, transpose_lhs_hint = false} : vector<128x64xf32>, vector<64x64xf32>, vector<128x64xf32> -> vector<128x64xf32>
    %get3A_42 = arith.constant 0 : index
    %get3A_43 = arith.constant 0 : index
    %get3A_44 = vector.load %arg7[%get3A_42, %get3A_43] : memref<1x64xf32, #tpu.memory_space<vmem>>, vector<1x64xf32>
    %add3A_45 = vector.broadcast %get3A_44 : vector<1x64xf32> to vector<128x64xf32>
    %add3A_46 = arith.addf %dot_general3A_41, %add3A_45 : vector<128x64xf32>
    %max3A_47 = arith.constant 0.000000e+00 : f32
    %max3A_48 = vector.broadcast %max3A_47 : f32 to vector<128x64xf32>
    %max3A_49 = arith.maximumf %add3A_46, %max3A_48 : vector<128x64xf32>
    %get3A_50 = arith.constant 0 : index
    %get3A_51 = arith.constant 0 : index
    %get3A_52 = vector.load %arg8[%get3A_50, %get3A_51] : memref<64x10xf32, #tpu.memory_space<vmem>>, vector<64x10xf32>
    %dot_general3A_53 = arith.constant dense<0.000000e+00> : vector<128x10xf32>
    %dot_general3A_54 = tpu.matmul %max3A_49, %get3A_52, %dot_general3A_53 {dimension_numbers = #tpu.dot_dimension_numbers<[1], [0], [0], [1], [0, 0, 1, 1], [], []>, transpose_lhs_hint = false} : vector<128x64xf32>, vector<64x10xf32>, vector<128x10xf32> -> vector<128x10xf32>
    %get3A_55 = arith.constant 0 : index
    %get3A_56 = arith.constant 0 : index
    %get3A_57 = vector.load %arg9[%get3A_55, %get3A_56] : memref<1x10xf32, #tpu.memory_space<vmem>>, vector<1x10xf32>
    %add3A_58 = vector.broadcast %get3A_57 : vector<1x10xf32> to vector<128x10xf32>
    %add3A_59 = arith.addf %dot_general3A_54, %add3A_58 : vector<128x10xf32>
    %reduce_max3A = arith.constant dense<0xFF800000> : vector<128xf32>
    %reduce_max3A_60 = vector.multi_reduction <maximumf>, %add3A_59, %reduce_max3A [1] : vector<128x10xf32> to vector<128xf32>
    %broadcast_in_dim3A_61 = vector.shape_cast %reduce_max3A_60 : vector<128xf32> to vector<128x1xf32>
    %sub3A = vector.broadcast %broadcast_in_dim3A_61 : vector<128x1xf32> to vector<128x10xf32>
    %sub3A_62 = arith.subf %add3A_59, %sub3A : vector<128x10xf32>
    %exp3A = math.exp %sub3A_62 : vector<128x10xf32>
    %reduce_sum3A_63 = arith.constant dense<0.000000e+00> : vector<128xf32>
    %reduce_sum3A_64 = vector.multi_reduction <add>, %exp3A, %reduce_sum3A_63 [1] : vector<128x10xf32> to vector<128xf32>
    %broadcast_in_dim3A_65 = vector.shape_cast %reduce_sum3A_64 : vector<128xf32> to vector<128x1xf32>
    %log3A = math.log %broadcast_in_dim3A_65 : vector<128x1xf32>
    %add3A_66 = arith.addf %broadcast_in_dim3A_61, %log3A : vector<128x1xf32>
    %sub3A_67 = vector.broadcast %add3A_66 : vector<128x1xf32> to vector<128x10xf32>
    %sub3A_68 = arith.subf %add3A_59, %sub3A_67 : vector<128x10xf32>
    %swap3A = arith.constant 0 : index
    %swap3A_69 = arith.constant 0 : index
    %swap3A_70 = vector.load %arg10[%swap3A, %swap3A_69] : memref<128x10xf32, #tpu.memory_space<vmem>>, vector<128x10xf32>
    tpu.vector_store %arg10[%swap3A, %swap3A_69], %sub3A_68 {strides = array<i32>} : memref<128x10xf32, #tpu.memory_space<vmem>>, vector<128x10xf32>,
    return
  }
  func.func @transform_0(%arg0: i32) -> (i32, i32, i32) {
    %c0_i32 = arith.constant 0 : i32
    %c0_i32_0 = arith.constant 0 : i32
    %c0_i32_1 = arith.constant 0 : i32
    %c0_i32_2 = arith.constant 0 : i32
    return %c0_i32, %c0_i32_0, %c0_i32_1 : i32, i32, i32
  }
  func.func @transform_1(%arg0: i32) -> (i32, i32) {
    %c0_i32 = arith.constant 0 : i32
    %c0_i32_0 = arith.constant 0 : i32
    %c0_i32_1 = arith.constant 0 : i32
    return %c0_i32, %c0_i32_0 : i32, i32
  }
  func.func @transform_2(%arg0: i32) -> (i32, i32) {
    %c0_i32 = arith.constant 0 : i32
    %c0_i32_0 = arith.constant 0 : i32
    %c0_i32_1 = arith.constant 0 : i32
    return %c0_i32, %c0_i32_0 : i32, i32
  }
  func.func @transform_3(%arg0: i32) -> (i32, i32) {
    %c0_i32 = arith.constant 0 : i32
    %c0_i32_0 = arith.constant 0 : i32
    %c0_i32_1 = arith.constant 0 : i32
    return %c0_i32, %c0_i32_0 : i32, i32
  }
  func.func @transform_4(%arg0: i32) -> (i32, i32) {
    %c0_i32 = arith.constant 0 : i32
    %c0_i32_0 = arith.constant 0 : i32
    %c0_i32_1 = arith.constant 0 : i32
    return %c0_i32, %c0_i32_0 : i32, i32
  }
  func.func @transform_5(%arg0: i32) -> (i32, i32) {
    %c0_i32 = arith.constant 0 : i32
    %c0_i32_0 = arith.constant 0 : i32
    %c0_i32_1 = arith.constant 0 : i32
    return %c0_i32, %c0_i32_0 : i32, i32
  }
  func.func @transform_6(%arg0: i32) -> (i32, i32) {
    %c0_i32 = arith.constant 0 : i32
    %c0_i32_0 = arith.constant 0 : i32
    %c0_i32_1 = arith.constant 0 : i32
    return %c0_i32, %c0_i32_0 : i32, i32
  }
  func.func @transform_7(%arg0: i32) -> (i32, i32) {
    %c0_i32 = arith.constant 0 : i32
    %c0_i32_0 = arith.constant 0 : i32
    %c0_i32_1 = arith.constant 0 : i32
    return %c0_i32, %c0_i32_0 : i32, i32
  }
  func.func @transform_8(%arg0: i32) -> (i32, i32) {
    %c0_i32 = arith.constant 0 : i32
    %c0_i32_0 = arith.constant 0 : i32
    %c0_i32_1 = arith.constant 0 : i32
    return %c0_i32, %c0_i32_0 : i32, i32
  }
  func.func @transform_9(%arg0: i32) -> (i32, i32) {
    %c0_i32 = arith.constant 0 : i32
    %c0_i32_0 = arith.constant 0 : i32
    %c0_i32_1 = arith.constant 0 : i32
    return %c0_i32, %c0_i32_0 : i32, i32
  }
}

</mosaic_0001>

<sc_bundles>
// kernel: kernel.11.cloned.1.call-start
scs
__scs_entry_jumppad:
0x0: {  	(pc) =	sbr.rel $0x88, $3  }
0x1: {  	(tag) =	ssettag $0x0;
	lr =	simm.s32 $0x1  }
0x2: {  	[smem:$0x3F96] =	sst lr;
	_ =	strace $0xD0000000  }
0x3: {  	_ = 	snop  }
0x4: {  	_ = 	snop  }
0x5: {  	_ = 	snop  }
0x6: {  	_ = 	snop  }
0x7: {  	_ = 	snop  }
__scs_overlays_trampoline_lowered:
0x8: {  	[smem:$0x3FA5] =	sst s0  }
0x9: {  	[smem:$0x3FA6] =	sst s1  }
0xa: {  	[smem:$0x3FA7] =	sst s2  }
0xb: {  	[smem:$0x3FA8] =	sst s3  }
0xc: {  	[smem:$0x3FA9] =	sst s4  }
0xd: {  	[smem:$0x3FAA] =	sst s5  }
0xe: {  	[smem:$0x3FAB] =	sst s6  }
0xf: {  	[smem:$0x3FAC] =	sst s7  }
0x10: {  	[smem:$0x3FAD] =	sst s8  }
0x11: {  	[smem:$0x3FAE] =	sst s9;
	s0 =	simm.s32 @!p0 $0x0  }
0x12: {  	s1 =	sld [smem:$0x3F94];
	s0 =	simm.s32 @p0 $0x1  }
0x13: {  	[smem:$0x3FAF] =	sst s0;
	s0 =	simm.s32 @!p1 $0x0  }
0x14: {  	s2 =	sld [smem:$0x3F93];
	s0 =	simm.s32 @p1 $0x1  }
0x15: {  	[smem:$0x3FB0] =	sst s0;
	s0 =	simm.s32 @!p2 $0x0  }
0x16: {  	s3 =	sld [smem:$0x3FDB];
	s0 =	simm.s32 @p2 $0x1  }
0x17: {  	s4 =	simm.s32 $0x1BF5;
	[smem:$0x3FB2] =	sst s0  }
0x18: {  	s0 =	sld [smem:$0x3F95];
	_ =	swait.ge [sflag:s4], $0x0  }
0x19: {  	s7 =	sld [smem:$0x3F96]  }
0x1a: {  	s8 =	sadd.s32 $0xFFFFE003, lr  }
0x1b: {  	s9 =	sadd.s32 $0xFFFFFEF7, lr;
	s5 =	simm.s32 $0xFFFFFFFF;
	p2 =	slt.u32 s8, $0xFFFFF086  }
0x1c: {  	p1 =	slt.u32 s9, $0xF7A;
	s5 =	simm.s32 @!p2 $0x0  }
0x1d: {  	s5 =	simm.s32 @p1 $0x1;
	p0 =	seq.s32 s7, s2  }
0x1e: {  	s7 =	smul.u32 @!p0 $0xF7A, s2;
	p2 =	seq.s32 @!p0 s5, $0x0  }
0x1f: {  	s9 =	smul.u32 $0xF7A, s1;
	s8 =	simm.s32 @!p0 $0x1BF5;
	p2 =	por !p2, p0  }
0x20: {  	[sflag:s8] =	ssyncset.s32 @!p0 $0xFFFFF086;
	s6 =	sadd.s32 @!p0 s3, s7;
	s7 =	simm.s32 @!p0 $0x108  }
0x21: {  	s3 =	sadd.s32 s3, s9;
	s6 =	sadd.s32 @!p0 $0x88, s6;
	s7 =	simm.s32 @p2 $0x1082  }
0x22: {  	[simem:s7], [sflag:s8] =	dma.local @!p0 [hbm:s6], $0xF7A  }
0x23: {  	s9 =	sor.u32 $0xD0000000, s2;
	s6 =	simm.s32 $0x108;
	_ =	swait.ge @!p0 [sflag:s8], $0x0  }
0x24: {  	s3 =	sadd.s32 $0x88, s3;
	s6 =	simm.s32 @!p1 $0x1082;
	[sflag:s4] =	ssyncset.s32 $0xFFFFF086  }
0x25: {  	[simem:s6], [sflag:s4] =	dma.local [hbm:s3], $0xF7A  }
0x26: {  	[smem:$0x3F96] =	sst s1;
	(tag) =	ssettag s2;
	_ =	strace s9  }
0x27: {  	s1 =	sld [smem:$0x3FA6]  }
0x28: {  	s2 =	sld [smem:$0x3FA7]  }
0x29: {  	s4 =	sld [smem:$0x3FA9]  }
0x2a: {  	p0 =	seq.s32 s5, $0x0;
	s5 =	sld [smem:$0x3FAA]  }
0x2b: {  	s6 =	sld [smem:$0x3FAB]  }
0x2c: {  	s7 =	sld [smem:$0x3FAC]  }
0x2d: {  	s3 =	simm.s32 $0x108;
	s8 =	sld [smem:$0x3FAD]  }
0x2e: {  	s3 =	simm.s32 @!p0 $0x1082;
	s9 =	sld [smem:$0x3FAE]  }
0x2f: {  	lr =	sadd.s32 s0, s3;
	s0 =	sld [smem:$0x3FA5]  }
0x30: {  	s3 =	sld [smem:$0x3FA8]  }
0x31: {  	[smem:$0x3FB1] =	sst s10  }
0x32: {  	s10 =	sld [smem:$0x3FAF];
	_ =	sdelay $0x3  }
0x33: {  	p0 =	seq.s32 s10, $0x1;
	s10 =	sld [smem:$0x3FB1];
	_ =	sdelay $0x3  }
0x34: {  	[smem:$0x3FB1] =	sst s10  }
0x35: {  	s10 =	sld [smem:$0x3FB0];
	_ =	sdelay $0x3  }
0x36: {  	p1 =	seq.s32 s10, $0x1;
	s10 =	sld [smem:$0x3FB1];
	_ =	sdelay $0x3  }
0x37: {  	[smem:$0x3FB1] =	sst s10  }
0x38: {  	s10 =	sld [smem:$0x3FB2]  }
0x39: {  	_ = 	snop;
	(pc) =	sbr.ind lr, $3  }
0x3a: {  	_ = 	snop  }
0x3b: {  	_ = 	snop  }
0x3c: {  	p2 =	seq.s32 s10, $0x1;
	s10 =	sld [smem:$0x3FB1]  }
0x3d: {  	_ =	shalt  }
0x3e: {  	_ =	shalt  }
0x3f: {  	_ =	shalt  }
0x40: {  	_ =	shalt  }
0x41: {  	_ =	shalt  }
0x42: {  	_ =	shalt  }
0x43: {  	_ =	shalt  }
0x44: {  	_ =	shalt  }
0x45: {  	_ =	shalt  }
0x46: {  	_ =	shalt  }
0x47: {  	_ =	shalt  }
0x48: {  	_ =	shalt  }
0x49: {  	_ =	shalt  }
0x4a: {  	_ =	shalt  }
0x4b: {  	_ =	shalt  }
0x4c: {  	_ =	shalt  }
0x4d: {  	_ =	shalt  }
0x4e: {  	_ =	shalt  }
0x4f: {  	_ =	shalt  }
0x50: {  	_ =	shalt  }
0x51: {  	_ =	shalt  }
0x52: {  	_ =	shalt  }
0x53: {  	_ =	shalt  }
0x54: {  	_ =	shalt  }
0x55: {  	_ =	shalt  }
0x56: {  	_ =	shalt  }
0x57: {  	_ =	shalt  }
0x58: {  	_ =	shalt  }
0x59: {  	_ =	shalt  }
0x5a: {  	_ =	shalt  }
0x5b: {  	_ =	shalt  }
0x5c: {  	_ =	shalt  }
0x5d: {  	_ =	shalt  }
0x5e: {  	_ =	shalt  }
0x5f: {  	_ =	shalt  }
0x60: {  	_ =	shalt  }
0x61: {  	_ =	shalt  }
0x62: {  	_ =	shalt  }
0x63: {  	_ =	shalt  }
0x64: {  	_ =	shalt  }
0x65: {  	_ =	shalt  }
0x66: {  	_ =	shalt  }
0x67: {  	_ =	shalt  }
0x68: {  	_ =	shalt  }
0x69: {  	_ =	shalt  }
0x6a: {  	_ =	shalt  }
0x6b: {  	_ =	shalt  }
0x6c: {  	_ =	shalt  }
0x6d: {  	_ =	shalt  }
0x6e: {  	_ =	shalt  }
0x6f: {  	_ =	shalt  }
0x70: {  	_ =	shalt  }
0x71: {  	_ =	shalt  }
0x72: {  	_ =	shalt  }
0x73: {  	_ =	shalt  }
0x74: {  	_ =	shalt  }
0x75: {  	_ =	shalt  }
0x76: {  	_ =	shalt  }
0x77: {  	_ =	shalt  }
0x78: {  	_ =	shalt  }
0x79: {  	_ =	shalt  }
0x7a: {  	_ =	shalt  }
0x7b: {  	_ =	shalt  }
0x7c: {  	_ =	shalt  }
0x7d: {  	_ =	shalt  }
0x7e: {  	_ =	shalt  }
0x7f: {  	_ =	shalt  }
0x80: {  	_ =	shalt  }
0x81: {  	_ =	shalt  }
0x82: {  	_ =	shalt  }
0x83: {  	_ =	shalt  }
0x84: {  	_ =	shalt  }
0x85: {  	_ =	shalt  }
0x86: {  	_ =	shalt  }
0x87: {  	_ =	shalt  }
.Lfunc_end0:
.L_simem_size_0:
called_computation.1_lowered:
.L_overlay_start_0:
0x88: {  	s2 =	sld [smem:$0x3FD9]  }
0x89: {  	s3 =	sld [smem:$0x3FFE];
	_ =	sdelay $0x1  }
0x8a: {  	s1 =	srdreg.scid  }
0x8b: {  	s0 =	sand.u32 $0x1, s1  }
0x8c: {  	s16 =	sshll.u32 s0, $0xA;
	s2 =	sadd.s32 s3, s2  }
0x8d: {  	s2 =	sadd.s32 s2, s16  }
0x8e: {  	[smem:$0x3FBD] =	sst s2  }
0x8f: {  	_ = 	snop  }
0x90: {  	(tm) =	ssettm $0x1  }
0x91: {  	s17 =	sld [smem:$0x3FFB];
	_ =	sdelay $0x3  }
0x92: {  	_ =	strace s17  }
0x93: {  	s2 =	sld [smem:$0x3FFC];
	_ =	sdelay $0x3  }
0x94: {  	_ =	strace s2  }
0x95: {  	s2 =	sld [smem:$0x3FFD];
	_ =	sdelay $0x3  }
0x96: {  	_ =	strace s2  }
0x97: {  	_ =	strace $0x8FFFFFFF  }
0x98: {  	s18 =	sld [smem:$0x3FDB];
	_ =	sdelay $0x1  }
0x99: {  	s19 =	simm.s32 $_scs_section_size  }
0x9a: {  	s4 =	simm.s32 $_size__tile_overlayer_lowered;
	s5 =	simm.s32 $_tile_overlayer_lowered  }
0x9b: {  	s22 =	simm.s32 $0x1BFF;
	s21 =	sshll.u32 s5, $0x1;
	s2 =	sadd.s32 s19, s18  }
0x9c: {  	s6 =	simm.s32 $0x0;
	s20 =	sshll.u32 s4, $0x1;
	s4 =	sadd.s32 s21, s2  }
0x9d: {  	[timem:s6], [sflag:s22] =	dma.local [hbm:s4], s20  }
0x9e: {  	_ =	swait.ge [sflag:s22], s20  }
0x9f: {  	s3 =	ssub.s32 $0x0, s20;
	[sflag:s22] =	ssyncset.done $0x0  }
0xa0: {  	[sflag:s22] =	ssyncadd.s32 s3;
	_ =	sdelay $0x1  }
0xa1: {  	s23 =	simm.s32 $0x1B8B  }
0xa2: {  	_ =	swait.ge [sflag:s23], $0x1  }
0xa3: {  	[sflag:s23] =	ssyncset.done $0x0  }
0xa4: {  	s25 =	simm.s32 $0x1B8E;
	s24 =	sld [smem:$0x3FFE];
	[sflag:s23] =	ssyncadd.s32 $0xFFFFFFFF  }
0xa5: {  	s26 =	simm.s32 $execute0_lowered;
	[smem:$0x3FD2] =	sst s25  }
0xa6: {  	s4 =	sshll.u32 s26, $0x1;
	_ =	strace $0x80000049;
	[dreg:$0x1] =	wrdreg $0xFFFFFFFF  }
0xa7: {  	s28 =	simm.s32 $_size_execute0_lowered;
	s2 =	sadd.s32 s2, s4;
	[dreg:$0x0] =	wrdreg $0x0  }
0xa8: {  	s4 =	sshll.u32 s28, $0x1;
	[dreg:$0x2] =	wrdreg s2  }
0xa9: {  	[dreg:$0x3] =	wrdreg s4  }
0xaa: {  	[dreg:$0x4] =	wrdreg $0xC0  }
0xab: {  	_ =	task [dreg:s6], $0x5FFFF  }
0xac: {  	[dreg:$0x1] =	wrdreg $0xFFFFFFFF  }
0xad: {  	[dreg:$0x0] =	wrdreg $0x60  }
0xae: {  	[dreg:$0x2] =	wrdreg s24  }
0xaf: {  	[dreg:$0x3] =	wrdreg $0xB0000  }
0xb0: {  	[dreg:$0x4] =	wrdreg $0x9  }
0xb1: {  	_ =	task.clear_ibuf [dreg:s6], $0x5FFFF;
	_ =	strace $0x90000049  }
0xb2: {  	s29 =	simm.s32 $0x9;
	_ =	strace $0x8000004B  }
0xb3: {  	_ =	swait.ge [sflag:s29], $0x1  }
0xb4: {  	[sflag:s29] =	ssyncadd.s32 $0xFFFFFFFF  }
0xb5: {  	_ =	strace $0x9000004B  }
0xb6: {  	_ =	sfence  }
0xb7: {  	s30 =	sld [smem:$0x0];
	_ =	sdelay $0x2  }
0xb8: {  	s31 =	sshll.u32 s1, $0xD;
	s1 =	sshrl.u32 s1, $0x2  }
0xb9: {  	s3 =	sand.u32 $0x4000, s31;
	s1 =	sadd.s32 s1, s30  }
0xba: {  	s0 =	sor.u32 s3, s0;
	s1 =	sshll.u32 s1, $0x11  }
0xbb: {  	s0 =	sor.u32 s1, s0  }
0xbc: {  	s0 =	sadd.s32 $0x8F2B, s0  }
0xbd: {  	[sflag:s0] =	ssyncadd.remote.s32 $0x1  }
0xbe: {  	_ =	sfence.sel $0xFFFF  }
0xbf: {  	[dreg:$0x0] =	wrdreg $0xFFFFFFFF;
	(pc) =	sbr.abs _section_cstart, $3  }
0xc0: {  	[dreg:$0x1] =	wrdreg $0xFFFFFFFF  }
0xc1: {  	_ =	task.clear_ibuf [dreg:s6], $0x2FFFF;
	_ =	strace $0x9FFFFFFF  }
0xc2: {  	(tm) =	ssettm $0x7FFFFFFF  }
0xc3: {  	_ =	shalt  }
tec
execute0_lowered:
.L_overlay_start_1:
0x0: {  	(tag) =	ssettag $0x1  }
0x1: {  	s1 =	srdreg.scid  }
0x2: {  	s0 =	stileid.u32;
	s6 =	rddreg [dreg:$0x0]  }
0x3: {  	s2 =	rddreg [dreg:$0x1];
	s3 =	simm.s32 $0x0;
	s14 =	simm.s32 $0x5000  }
0x4: {  	s15 =	simm.s32 $0x7000;
	s16 =	simm.s32 $0x1;
	s17 =	simm.s32 $0x9000  }
0x5: {  	s18 =	simm.s32 $0x2;
	s19 =	simm.s32 $0x0;
	s5 =	sand.u32 $0x1, s1  }
0x6: {  	s29 =	sshll.u32 s0, $0x1;
	s7 =	smul.u32 $0x9E00, s0;
	[smem:$0x7FF] =	sst s3  }
0x7: {  	s31 =	sshll.u32 s0, $0x6;
	s1 =	sor.u32 s5, s29;
	s8 =	smul.u32 $0x9E000, s5  }
0x8: {  	s5 =	ssub.s32 $0x2, s5;
	s4 =	smul.u32 $0x500, s1;
	s1 =	rddreg [dreg:$0x2]  }
0x9: {  	_ =	strace $0x8000004A;
	s10 =	sshrl.u32 s7, $0x3;
	s30 =	sshrl.u32 s5, $0x1  }
0xa: {  	s13 =	sadd.s32 s7, s2;
	s8 =	sadd.s32 s7, s8;
	s10 =	sadd.s32 s10, s6  }
.Ltmp0:
0xb: {  	s12 =	ssub.s32 s5, s30;
	s9 =	sadd.s32 s4, s6;
	(pc) =	sbr.rel .LBB2_1-.Ltmp0, $4  }
0xc: {  	s4 =	sadd.s32 $0x1D800, s6;
	s8 =	sshrl.u32 s8, $0x3;
	s5 =	sadd.s32 $0x31200, s10  }
0xd: {  	s10 =	smax.u32 s12, $0x1;
	s12 =	simm.s32 $0x3;
	s11 =	sadd.s32 s8, s6  }
0xe: {  	s6 =	sor.u32 $0x1C03, s31;
	s7 =	sadd.s32 $0x13800, s9;
	s8 =	sadd.s32 $0x4800, s9  }
0xf: {  	s9 =	sadd.s32 $0x44E00, s11;
	s11 =	sshrl.u32 s13, $0x3;
	s13 =	simm.s32 $0x80  }
.LBB2_10:
0x10: {  	_ =	swait.ge [sflag:s18], $0x2000  }
0x11: {  	s19 =	sadd.s32 $0x1, s19;
	[sflag:s18] =	ssyncset.done $0x0  }
0x12: {  	p0 =	sne.s32 s19, s10;
	[sflag:s18] =	ssyncadd.s32 $0xFFFFE000  }
.Ltmp1:
0x13: {  	[bflag:$0x0] =	sbarrier.arrive $0xFFFF;
	(pc) =	sbr.rel @!p0 .LBB2_11-.Ltmp1, $4  }
0x14: {  	[hbm:s9], [sflag:s6] =	dma.local [spmem:s11], $0x13C0  }
0x15: {  	_ =	swait.ge [sflag:s12], $0x13C0  }
0x16: {  	[sflag:s12] =	ssyncset.done $0x0  }
0x17: {  	[sflag:s12] =	ssyncadd.s32 $0xFFFFEC40  }
.LBB2_1:
0x18: {  	[spmem:s11], [sflag:s6] =	dma.local [hbm:s5], $0x13C0  }
0x19: {  	_ =	swait.ge [sflag:s12], $0x13C0  }
0x1a: {  	[sflag:s12] =	ssyncset.done $0x0  }
0x1b: {  	[sflag:s12] =	ssyncadd.s32 $0xFFFFEC40  }
0x1c: {  	[tilespmem:s3], [sflag:$0x3] =	stream.linear.gather [hbm4b:s7+s3], $0x2800, $0x38;
	[tilespmem:$0x14E00] =	vst v63  }
0x1d: {  	_ =	swait.ge [sflag:s12], $0x2800  }
0x1e: {  	[sflag:s12] =	ssyncset.done $0x0  }
0x1f: {  	s20 =	simm.s32 $0x2800;
	[sflag:s12] =	ssyncadd.s32 $0xFFFFD800  }
0x20: {  	[tilespmem:s20], [sflag:$0x3] =	stream.linear.gather [hbm4b:s8+s3], $0x2800, $0x38;
	[tilespmem:$0x14E00] =	vst v63  }
0x21: {  	_ =	swait.ge [sflag:s12], $0x2800  }
0x22: {  	[sflag:s12] =	ssyncset.done $0x0  }
.Ltmp2:
0x23: {  	[sflag:s12] =	ssyncadd.s32 $0xFFFFD800;
	(pc) =	sbr.rel .LBB2_2-.Ltmp2, $4  }
0x24: {  	[bflag:$0x0] =	sbarrier.arrive $0xFFFF  }
0x25: {  	[tilespmem:s14], [sflag:$0x1] =	stream.indirect.gather [hbm4b:s4+s13], $0x40, s3, s13, $0xb8;
	[tilespmem:$0x14E00] =	vst v63  }
0x26: {  	s21 =	simm.s32 $0x100;
	s22 =	simm.s32 $0x0  }
0x27: {  	[tilespmem:s15], [sflag:$0x1] =	stream.indirect.gather [hbm4b:s4+s13], $0x40, s13, s13, $0xb8;
	[tilespmem:$0x14E00] =	vst v63  }
.LBB2_8:
0x28: {  	[tilespmem:s23], [sflag:$0x1] =	stream.indirect.gather [hbm4b:s4+s13], $0x40, s21, s13, $0xb8;
	[tilespmem:$0x14E00] =	vst v63  }
.LBB2_9:
0x29: {  	s22 =	sadd.s32 $0x1, s22  }
0x2a: {  	p0 =	sne.s32 s22, $0x50  }
.Ltmp3:
0x2b: {  	_ = 	snop;
	(pc) =	sbr.rel @!p0 .LBB2_10-.Ltmp3, $2  }
0x2c: {  	_ =	sdelay $0x2  }
0x2d: {  	s21 =	sadd.s32 $0x80, s21;
	s20 =	sadd.s32 $0x80, s20  }
.LBB2_2:
0x2e: {  	s23 =	smul.u32 $0xAB, s22;
	_ =	sdelay $0x1  }
0x2f: {  	s23 =	sshrl.u32 s23, $0x9  }
0x30: {  	s23 =	sand.u32 $0x7F, s23  }
0x31: {  	s23 =	smul.u32 $0x3, s23;
	_ =	sdelay $0x1  }
0x32: {  	s23 =	ssub.s32 s22, s23  }
0x33: {  	s23 =	sand.u32 $0xFF, s23  }
0x34: {  	p0 =	sne.s32 s23, $0x0  }
.Ltmp4:
0x35: {  	_ = 	snop;
	(pc) =	sbr.rel @!p0 .LBB2_3-.Ltmp4, $1  }
0x36: {  	_ =	sdelay $0x3  }
0x37: {  	p0 =	sne.s32 s23, $0x1  }
.Ltmp5:
0x38: {  	_ = 	snop;
	(pc) =	sbr.rel @p0 .LBB2_7-.Ltmp5, $4  }
0x39: {  	_ = 	snop  }
0x3a: {  	_ =	swait.ge [sflag:s16], $0x2000  }
0x3b: {  	[sflag:s16] =	ssyncset.done $0x0  }
0x3c: {  	[sflag:s16] =	ssyncadd.s32 $0xFFFFE000  }
0x3d: {  	[spmem:s2] =	stream.indirect.scatter.add.f32 [tilespmem:s15], [sflag:$0x2], $0x40, s20, s13, $0xb8;
	[tilespmem:$0x14E00] =	vst v63  }
0x3e: {  	p0 =	slt.u32 s22, $0x4E  }
.Ltmp6:
0x3f: {  	_ = 	snop;
	(pc) =	sbr.rel @p0 .LBB2_8-.Ltmp6, $4  }
.Ltmp7:
0x40: {  	_ = 	snop;
	(pc) =	sbr.rel @!p0 .LBB2_9-.Ltmp7, $4  }
0x41: {  	_ =	swait.ge [sflag:s18], $0x2000  }
0x42: {  	[sflag:s18] =	ssyncset.done $0x0  }
0x43: {  	s23 =	simm.s32 $0x5000;
	[sflag:s18] =	ssyncadd.s32 $0xFFFFE000  }
0x44: {  	_ = 	snop  }
.LBB2_3:
0x45: {  	p0 =	seq.s32 s22, $0x0  }
0x46: {  	_ =	swait.ge [sflag:s16], $0x2000;
	p1 =	slt.u32 @!p0 s22, $0x4E  }
0x47: {  	[sflag:s16] =	ssyncset.done $0x0;
	p1 =	por p0, p1  }
.Ltmp8:
0x48: {  	s23 =	simm.s32 @!p0 $0x2;
	[sflag:s16] =	ssyncadd.s32 $0xFFFFE000;
	(pc) =	sbr.rel @!p1 .LBB2_9-.Ltmp8, $4  }
0x49: {  	[spmem:s2] =	stream.indirect.scatter.add.f32 [tilespmem:s14], [sflag:$0x2], $0x40, s20, s13, $0xb8;
	[tilespmem:$0x14E00] =	vst v63  }
0x4a: {  	_ =	swait.ge @!p0 [sflag:s23], $0x2000  }
0x4b: {  	[sflag:s23] =	ssyncset.done @!p0 $0x0  }
0x4c: {  	[sflag:s23] =	ssyncadd.s32 @!p0 $0xFFFFE000  }
.Ltmp9:
0x4d: {  	(pc) =	sbr.rel .LBB2_8-.Ltmp9, $3  }
0x4e: {  	_ =	sdelay $0x1  }
0x4f: {  	s23 =	simm.s32 @!p0 $0x9000  }
0x50: {  	s23 =	simm.s32 @p0 $0x9000  }
.LBB2_7:
0x51: {  	[spmem:s2] =	stream.indirect.scatter.add.f32 [tilespmem:s17], [sflag:$0x2], $0x40, s20, s13, $0xb8;
	[tilespmem:$0x14E00] =	vst v63  }
0x52: {  	p0 =	sgt.u32 s22, $0x4D  }
.Ltmp10:
0x53: {  	_ = 	snop;
	(pc) =	sbr.rel @p0 .LBB2_9-.Ltmp10, $4  }
.Ltmp11:
0x54: {  	_ = 	snop;
	(pc) =	sbr.rel @!p0 .LBB2_8-.Ltmp11, $4  }
0x55: {  	_ =	swait.ge [sflag:s18], $0x2000  }
0x56: {  	[sflag:s18] =	ssyncset.done $0x0  }
0x57: {  	s23 =	simm.s32 $0x7000;
	[sflag:s18] =	ssyncadd.s32 $0xFFFFE000  }
0x58: {  	_ = 	snop  }
.LBB2_11:
0x59: {  	_ =	sfence.sel $0x180000  }
0x5a: {  	[bflag:$0x0] =	sbarrier.arrive $0xFFFF  }
0x5b: {  	p0 =	sne.s32 s0, $0x0;
	_ =	strace $0x9000004A  }
0x5c: {  	s0 =	sadd.s32 @!p0 $0x100000, s1;
	[bflag:$0x2] =	sbarrier.arrive $0xFFFF  }
0x5d: {  	[sflag:s0] =	ssyncadd.tile.s32 @!p0 $0x1;
	_ =	shalt  }
.Lfunc_end2:
_tile_overlayer_lowered:
.L_overlay_start_2:
0x5e: {  	(tag) =	ssettag $0x2  }
0x5f: {  	s0 =	rddreg [dreg:$0x0];
	s2 =	stileid.u32  }
0x60: {  	s1 =	rddreg [dreg:$0x1];
	p0 =	sne.s32 s2, $0x0  }
0x61: {  	s3 =	rddreg [dreg:$0x2];
	[bflag:$0x3] =	sbarrier.arrive $0xFFFF;
	s2 =	simm.s32 @!p0 $0x1C03  }
0x62: {  	[timem:s3], [sflag:s2] =	dma.local @!p0 [hbm:s0], s1  }
0x63: {  	s0 =	simm.s32 @!p0 $0x3  }
0x64: {  	_ =	swait.ge @!p0 [sflag:s0], s1  }
0x65: {  	s1 =	ssub.s32 @!p0 $0x0, s1;
	[sflag:s0] =	ssyncset.done @!p0 $0x0  }
0x66: {  	[sflag:s0] =	ssyncadd.s32 @!p0 s1  }
0x67: {  	[bflag:$0x3] =	sbarrier.arrive $0xFFFF  }
0x68: {  	_ =	shalt  }

// kernel: kernel.14.cloned.1.call-start
scs
__scs_entry_jumppad:
0x0: {  	(pc) =	sbr.rel $0x88, $3  }
0x1: {  	(tag) =	ssettag $0x0;
	lr =	simm.s32 $0x1  }
0x2: {  	[smem:$0x3F96] =	sst lr;
	_ =	strace $0xD0000000  }
0x3: {  	_ = 	snop  }
0x4: {  	_ = 	snop  }
0x5: {  	_ = 	snop  }
0x6: {  	_ = 	snop  }
0x7: {  	_ = 	snop  }
__scs_overlays_trampoline_lowered:
0x8: {  	[smem:$0x3FA5] =	sst s0  }
0x9: {  	[smem:$0x3FA6] =	sst s1  }
0xa: {  	[smem:$0x3FA7] =	sst s2  }
0xb: {  	[smem:$0x3FA8] =	sst s3  }
0xc: {  	[smem:$0x3FA9] =	sst s4  }
0xd: {  	[smem:$0x3FAA] =	sst s5  }
0xe: {  	[smem:$0x3FAB] =	sst s6  }
0xf: {  	[smem:$0x3FAC] =	sst s7  }
0x10: {  	[smem:$0x3FAD] =	sst s8  }
0x11: {  	[smem:$0x3FAE] =	sst s9;
	s0 =	simm.s32 @!p0 $0x0  }
0x12: {  	s1 =	sld [smem:$0x3F94];
	s0 =	simm.s32 @p0 $0x1  }
0x13: {  	[smem:$0x3FAF] =	sst s0;
	s0 =	simm.s32 @!p1 $0x0  }
0x14: {  	s2 =	sld [smem:$0x3F93];
	s0 =	simm.s32 @p1 $0x1  }
0x15: {  	[smem:$0x3FB0] =	sst s0;
	s0 =	simm.s32 @!p2 $0x0  }
0x16: {  	s3 =	sld [smem:$0x3FDB];
	s0 =	simm.s32 @p2 $0x1  }
0x17: {  	s4 =	simm.s32 $0x1BF5;
	[smem:$0x3FB2] =	sst s0  }
0x18: {  	s0 =	sld [smem:$0x3F95];
	_ =	swait.ge [sflag:s4], $0x0  }
0x19: {  	s7 =	sld [smem:$0x3F96]  }
0x1a: {  	s8 =	sadd.s32 $0xFFFFE003, lr  }
0x1b: {  	s9 =	sadd.s32 $0xFFFFFEF7, lr;
	s5 =	simm.s32 $0xFFFFFFFF;
	p2 =	slt.u32 s8, $0xFFFFF086  }
0x1c: {  	p1 =	slt.u32 s9, $0xF7A;
	s5 =	simm.s32 @!p2 $0x0  }
0x1d: {  	s5 =	simm.s32 @p1 $0x1;
	p0 =	seq.s32 s7, s2  }
0x1e: {  	s7 =	smul.u32 @!p0 $0xF7A, s2;
	p2 =	seq.s32 @!p0 s5, $0x0  }
0x1f: {  	s9 =	smul.u32 $0xF7A, s1;
	s8 =	simm.s32 @!p0 $0x1BF5;
	p2 =	por !p2, p0  }
0x20: {  	[sflag:s8] =	ssyncset.s32 @!p0 $0xFFFFF086;
	s6 =	sadd.s32 @!p0 s3, s7;
	s7 =	simm.s32 @!p0 $0x108  }
0x21: {  	s3 =	sadd.s32 s3, s9;
	s6 =	sadd.s32 @!p0 $0x88, s6;
	s7 =	simm.s32 @p2 $0x1082  }
0x22: {  	[simem:s7], [sflag:s8] =	dma.local @!p0 [hbm:s6], $0xF7A  }
0x23: {  	s9 =	sor.u32 $0xD0000000, s2;
	s6 =	simm.s32 $0x108;
	_ =	swait.ge @!p0 [sflag:s8], $0x0  }
0x24: {  	s3 =	sadd.s32 $0x88, s3;
	s6 =	simm.s32 @!p1 $0x1082;
	[sflag:s4] =	ssyncset.s32 $0xFFFFF086  }
0x25: {  	[simem:s6], [sflag:s4] =	dma.local [hbm:s3], $0xF7A  }
0x26: {  	[smem:$0x3F96] =	sst s1;
	(tag) =	ssettag s2;
	_ =	strace s9  }
0x27: {  	s1 =	sld [smem:$0x3FA6]  }
0x28: {  	s2 =	sld [smem:$0x3FA7]  }
0x29: {  	s4 =	sld [smem:$0x3FA9]  }
0x2a: {  	p0 =	seq.s32 s5, $0x0;
	s5 =	sld [smem:$0x3FAA]  }
0x2b: {  	s6 =	sld [smem:$0x3FAB]  }
0x2c: {  	s7 =	sld [smem:$0x3FAC]  }
0x2d: {  	s3 =	simm.s32 $0x108;
	s8 =	sld [smem:$0x3FAD]  }
0x2e: {  	s3 =	simm.s32 @!p0 $0x1082;
	s9 =	sld [smem:$0x3FAE]  }
0x2f: {  	lr =	sadd.s32 s0, s3;
	s0 =	sld [smem:$0x3FA5]  }
0x30: {  	s3 =	sld [smem:$0x3FA8]  }
0x31: {  	[smem:$0x3FB1] =	sst s10  }
0x32: {  	s10 =	sld [smem:$0x3FAF];
	_ =	sdelay $0x3  }
0x33: {  	p0 =	seq.s32 s10, $0x1;
	s10 =	sld [smem:$0x3FB1];
	_ =	sdelay $0x3  }
0x34: {  	[smem:$0x3FB1] =	sst s10  }
0x35: {  	s10 =	sld [smem:$0x3FB0];
	_ =	sdelay $0x3  }
0x36: {  	p1 =	seq.s32 s10, $0x1;
	s10 =	sld [smem:$0x3FB1];
	_ =	sdelay $0x3  }
0x37: {  	[smem:$0x3FB1] =	sst s10  }
0x38: {  	s10 =	sld [smem:$0x3FB2]  }
0x39: {  	_ = 	snop;
	(pc) =	sbr.ind lr, $3  }
0x3a: {  	_ = 	snop  }
0x3b: {  	_ = 	snop  }
0x3c: {  	p2 =	seq.s32 s10, $0x1;
	s10 =	sld [smem:$0x3FB1]  }
0x3d: {  	_ =	shalt  }
0x3e: {  	_ =	shalt  }
0x3f: {  	_ =	shalt  }
0x40: {  	_ =	shalt  }
0x41: {  	_ =	shalt  }
0x42: {  	_ =	shalt  }
0x43: {  	_ =	shalt  }
0x44: {  	_ =	shalt  }
0x45: {  	_ =	shalt  }
0x46: {  	_ =	shalt  }
0x47: {  	_ =	shalt  }
0x48: {  	_ =	shalt  }
0x49: {  	_ =	shalt  }
0x4a: {  	_ =	shalt  }
0x4b: {  	_ =	shalt  }
0x4c: {  	_ =	shalt  }
0x4d: {  	_ =	shalt  }
0x4e: {  	_ =	shalt  }
0x4f: {  	_ =	shalt  }
0x50: {  	_ =	shalt  }
0x51: {  	_ =	shalt  }
0x52: {  	_ =	shalt  }
0x53: {  	_ =	shalt  }
0x54: {  	_ =	shalt  }
0x55: {  	_ =	shalt  }
0x56: {  	_ =	shalt  }
0x57: {  	_ =	shalt  }
0x58: {  	_ =	shalt  }
0x59: {  	_ =	shalt  }
0x5a: {  	_ =	shalt  }
0x5b: {  	_ =	shalt  }
0x5c: {  	_ =	shalt  }
0x5d: {  	_ =	shalt  }
0x5e: {  	_ =	shalt  }
0x5f: {  	_ =	shalt  }
0x60: {  	_ =	shalt  }
0x61: {  	_ =	shalt  }
0x62: {  	_ =	shalt  }
0x63: {  	_ =	shalt  }
0x64: {  	_ =	shalt  }
0x65: {  	_ =	shalt  }
0x66: {  	_ =	shalt  }
0x67: {  	_ =	shalt  }
0x68: {  	_ =	shalt  }
0x69: {  	_ =	shalt  }
0x6a: {  	_ =	shalt  }
0x6b: {  	_ =	shalt  }
0x6c: {  	_ =	shalt  }
0x6d: {  	_ =	shalt  }
0x6e: {  	_ =	shalt  }
0x6f: {  	_ =	shalt  }
0x70: {  	_ =	shalt  }
0x71: {  	_ =	shalt  }
0x72: {  	_ =	shalt  }
0x73: {  	_ =	shalt  }
0x74: {  	_ =	shalt  }
0x75: {  	_ =	shalt  }
0x76: {  	_ =	shalt  }
0x77: {  	_ =	shalt  }
0x78: {  	_ =	shalt  }
0x79: {  	_ =	shalt  }
0x7a: {  	_ =	shalt  }
0x7b: {  	_ =	shalt  }
0x7c: {  	_ =	shalt  }
0x7d: {  	_ =	shalt  }
0x7e: {  	_ =	shalt  }
0x7f: {  	_ =	shalt  }
0x80: {  	_ =	shalt  }
0x81: {  	_ =	shalt  }
0x82: {  	_ =	shalt  }
0x83: {  	_ =	shalt  }
0x84: {  	_ =	shalt  }
0x85: {  	_ =	shalt  }
0x86: {  	_ =	shalt  }
0x87: {  	_ =	shalt  }
.Lfunc_end0:
.L_simem_size_0:
called_computation.2_lowered:
.L_overlay_start_0:
0x88: {  	s2 =	sld [smem:$0x3FD9]  }
0x89: {  	s3 =	sld [smem:$0x3FFE];
	_ =	sdelay $0x1  }
0x8a: {  	s1 =	srdreg.scid  }
0x8b: {  	s0 =	sand.u32 $0x1, s1  }
0x8c: {  	s16 =	sshll.u32 s0, $0xA;
	s2 =	sadd.s32 s3, s2  }
0x8d: {  	s2 =	sadd.s32 s2, s16  }
0x8e: {  	[smem:$0x3FBD] =	sst s2  }
0x8f: {  	_ = 	snop  }
0x90: {  	(tm) =	ssettm $0x1  }
0x91: {  	s17 =	sld [smem:$0x3FFB];
	_ =	sdelay $0x3  }
0x92: {  	_ =	strace s17  }
0x93: {  	s2 =	sld [smem:$0x3FFC];
	_ =	sdelay $0x3  }
0x94: {  	_ =	strace s2  }
0x95: {  	s2 =	sld [smem:$0x3FFD];
	_ =	sdelay $0x3  }
0x96: {  	_ =	strace s2  }
0x97: {  	_ =	strace $0x8FFFFFFF  }
0x98: {  	s18 =	sld [smem:$0x3FDB];
	_ =	sdelay $0x1  }
0x99: {  	s19 =	simm.s32 $_scs_section_size  }
0x9a: {  	s4 =	simm.s32 $_size__tile_overlayer_lowered;
	s5 =	simm.s32 $_tile_overlayer_lowered  }
0x9b: {  	s22 =	simm.s32 $0x1BFF;
	s21 =	sshll.u32 s5, $0x1;
	s2 =	sadd.s32 s19, s18  }
0x9c: {  	s6 =	simm.s32 $0x0;
	s20 =	sshll.u32 s4, $0x1;
	s4 =	sadd.s32 s21, s2  }
0x9d: {  	[timem:s6], [sflag:s22] =	dma.local [hbm:s4], s20  }
0x9e: {  	_ =	swait.ge [sflag:s22], s20  }
0x9f: {  	s3 =	ssub.s32 $0x0, s20;
	[sflag:s22] =	ssyncset.done $0x0  }
0xa0: {  	[sflag:s22] =	ssyncadd.s32 s3;
	_ =	sdelay $0x1  }
0xa1: {  	s23 =	simm.s32 $0x1B8B  }
0xa2: {  	_ =	swait.ge [sflag:s23], $0x1  }
0xa3: {  	[sflag:s23] =	ssyncset.done $0x0  }
0xa4: {  	s25 =	simm.s32 $0x1B8E;
	s24 =	sld [smem:$0x3FFE];
	[sflag:s23] =	ssyncadd.s32 $0xFFFFFFFF  }
0xa5: {  	s26 =	simm.s32 $execute0_lowered;
	[smem:$0x3FD2] =	sst s25  }
0xa6: {  	s4 =	sshll.u32 s26, $0x1;
	_ =	strace $0x8000004C;
	[dreg:$0x1] =	wrdreg $0xFFFFFFFF  }
0xa7: {  	s28 =	simm.s32 $_size_execute0_lowered;
	s2 =	sadd.s32 s2, s4;
	[dreg:$0x0] =	wrdreg $0x0  }
0xa8: {  	s4 =	sshll.u32 s28, $0x1;
	[dreg:$0x2] =	wrdreg s2  }
0xa9: {  	[dreg:$0x3] =	wrdreg s4  }
0xaa: {  	[dreg:$0x4] =	wrdreg $0xC0  }
0xab: {  	_ =	task [dreg:s6], $0x5FFFF  }
0xac: {  	[dreg:$0x1] =	wrdreg $0xFFFFFFFF  }
0xad: {  	[dreg:$0x0] =	wrdreg $0x60  }
0xae: {  	[dreg:$0x2] =	wrdreg s24  }
0xaf: {  	[dreg:$0x3] =	wrdreg $0xB0000  }
0xb0: {  	[dreg:$0x4] =	wrdreg $0x9  }
0xb1: {  	_ =	task.clear_ibuf [dreg:s6], $0x5FFFF;
	_ =	strace $0x9000004C  }
0xb2: {  	s29 =	simm.s32 $0x9;
	_ =	strace $0x8000004E  }
0xb3: {  	_ =	swait.ge [sflag:s29], $0x1  }
0xb4: {  	[sflag:s29] =	ssyncadd.s32 $0xFFFFFFFF  }
0xb5: {  	_ =	strace $0x9000004E  }
0xb6: {  	_ =	sfence  }
0xb7: {  	s30 =	sld [smem:$0x0];
	_ =	sdelay $0x2  }
0xb8: {  	s31 =	sshll.u32 s1, $0xD;
	s1 =	sshrl.u32 s1, $0x2  }
0xb9: {  	s3 =	sand.u32 $0x4000, s31;
	s1 =	sadd.s32 s1, s30  }
0xba: {  	s0 =	sor.u32 s3, s0;
	s1 =	sshll.u32 s1, $0x11  }
0xbb: {  	s0 =	sor.u32 s1, s0  }
0xbc: {  	s0 =	sadd.s32 $0x8F2B, s0  }
0xbd: {  	[sflag:s0] =	ssyncadd.remote.s32 $0x1  }
0xbe: {  	_ =	sfence.sel $0xFFFF  }
0xbf: {  	[dreg:$0x0] =	wrdreg $0xFFFFFFFF;
	(pc) =	sbr.abs _section_cstart, $3  }
0xc0: {  	[dreg:$0x1] =	wrdreg $0xFFFFFFFF  }
0xc1: {  	_ =	task.clear_ibuf [dreg:s6], $0x2FFFF;
	_ =	strace $0x9FFFFFFF  }
0xc2: {  	(tm) =	ssettm $0x7FFFFFFF  }
0xc3: {  	_ =	shalt  }
tec
execute0_lowered:
.L_overlay_start_1:
0x0: {  	(tag) =	ssettag $0x1  }
0x1: {  	s1 =	srdreg.scid  }
0x2: {  	s0 =	stileid.u32;
	s6 =	rddreg [dreg:$0x0]  }
0x3: {  	s2 =	rddreg [dreg:$0x1];
	s3 =	simm.s32 $0x0;
	s14 =	simm.s32 $0x5000  }
0x4: {  	s15 =	simm.s32 $0x7000;
	s16 =	simm.s32 $0x1;
	s17 =	simm.s32 $0x9000  }
0x5: {  	s18 =	simm.s32 $0x2;
	s19 =	simm.s32 $0x0;
	s5 =	sand.u32 $0x1, s1  }
0x6: {  	s29 =	sshll.u32 s0, $0x1;
	s7 =	smul.u32 $0x9E00, s0;
	[smem:$0x7FF] =	sst s3  }
0x7: {  	s31 =	sshll.u32 s0, $0x6;
	s1 =	sor.u32 s5, s29;
	s8 =	smul.u32 $0x9E000, s5  }
0x8: {  	s5 =	ssub.s32 $0x2, s5;
	s4 =	smul.u32 $0x500, s1;
	s1 =	rddreg [dreg:$0x2]  }
0x9: {  	_ =	strace $0x8000004D;
	s10 =	sshrl.u32 s7, $0x3;
	s30 =	sshrl.u32 s5, $0x1  }
0xa: {  	s13 =	sadd.s32 s7, s2;
	s8 =	sadd.s32 s7, s8;
	s10 =	sadd.s32 s10, s6  }
.Ltmp0:
0xb: {  	s12 =	ssub.s32 s5, s30;
	s9 =	sadd.s32 s4, s6;
	(pc) =	sbr.rel .LBB2_1-.Ltmp0, $4  }
0xc: {  	s4 =	sadd.s32 $0x1D800, s6;
	s8 =	sshrl.u32 s8, $0x3;
	s5 =	sadd.s32 $0x31200, s10  }
0xd: {  	s10 =	smax.u32 s12, $0x1;
	s12 =	simm.s32 $0x3;
	s11 =	sadd.s32 s8, s6  }
0xe: {  	s6 =	sor.u32 $0x1C03, s31;
	s7 =	sadd.s32 $0x13800, s9;
	s8 =	sadd.s32 $0x4800, s9  }
0xf: {  	s9 =	sadd.s32 $0x44E00, s11;
	s11 =	sshrl.u32 s13, $0x3;
	s13 =	simm.s32 $0x80  }
.LBB2_10:
0x10: {  	_ =	swait.ge [sflag:s18], $0x2000  }
0x11: {  	s19 =	sadd.s32 $0x1, s19;
	[sflag:s18] =	ssyncset.done $0x0  }
0x12: {  	p0 =	sne.s32 s19, s10;
	[sflag:s18] =	ssyncadd.s32 $0xFFFFE000  }
.Ltmp1:
0x13: {  	[bflag:$0x0] =	sbarrier.arrive $0xFFFF;
	(pc) =	sbr.rel @!p0 .LBB2_11-.Ltmp1, $4  }
0x14: {  	[hbm:s9], [sflag:s6] =	dma.local [spmem:s11], $0x13C0  }
0x15: {  	_ =	swait.ge [sflag:s12], $0x13C0  }
0x16: {  	[sflag:s12] =	ssyncset.done $0x0  }
0x17: {  	[sflag:s12] =	ssyncadd.s32 $0xFFFFEC40  }
.LBB2_1:
0x18: {  	[spmem:s11], [sflag:s6] =	dma.local [hbm:s5], $0x13C0  }
0x19: {  	_ =	swait.ge [sflag:s12], $0x13C0  }
0x1a: {  	[sflag:s12] =	ssyncset.done $0x0  }
0x1b: {  	[sflag:s12] =	ssyncadd.s32 $0xFFFFEC40  }
0x1c: {  	[tilespmem:s3], [sflag:$0x3] =	stream.linear.gather [hbm4b:s7+s3], $0x2800, $0x38;
	[tilespmem:$0x14E00] =	vst v63  }
0x1d: {  	_ =	swait.ge [sflag:s12], $0x2800  }
0x1e: {  	[sflag:s12] =	ssyncset.done $0x0  }
0x1f: {  	s20 =	simm.s32 $0x2800;
	[sflag:s12] =	ssyncadd.s32 $0xFFFFD800  }
0x20: {  	[tilespmem:s20], [sflag:$0x3] =	stream.linear.gather [hbm4b:s8+s3], $0x2800, $0x38;
	[tilespmem:$0x14E00] =	vst v63  }
0x21: {  	_ =	swait.ge [sflag:s12], $0x2800  }
0x22: {  	[sflag:s12] =	ssyncset.done $0x0  }
.Ltmp2:
0x23: {  	[sflag:s12] =	ssyncadd.s32 $0xFFFFD800;
	(pc) =	sbr.rel .LBB2_2-.Ltmp2, $4  }
0x24: {  	[bflag:$0x0] =	sbarrier.arrive $0xFFFF  }
0x25: {  	[tilespmem:s14], [sflag:$0x1] =	stream.indirect.gather [hbm4b:s4+s13], $0x40, s3, s13, $0xb8;
	[tilespmem:$0x14E00] =	vst v63  }
0x26: {  	s21 =	simm.s32 $0x100;
	s22 =	simm.s32 $0x0  }
0x27: {  	[tilespmem:s15], [sflag:$0x1] =	stream.indirect.gather [hbm4b:s4+s13], $0x40, s13, s13, $0xb8;
	[tilespmem:$0x14E00] =	vst v63  }
.LBB2_8:
0x28: {  	[tilespmem:s23], [sflag:$0x1] =	stream.indirect.gather [hbm4b:s4+s13], $0x40, s21, s13, $0xb8;
	[tilespmem:$0x14E00] =	vst v63  }
.LBB2_9:
0x29: {  	s22 =	sadd.s32 $0x1, s22  }
0x2a: {  	p0 =	sne.s32 s22, $0x50  }
.Ltmp3:
0x2b: {  	_ = 	snop;
	(pc) =	sbr.rel @!p0 .LBB2_10-.Ltmp3, $2  }
0x2c: {  	_ =	sdelay $0x2  }
0x2d: {  	s21 =	sadd.s32 $0x80, s21;
	s20 =	sadd.s32 $0x80, s20  }
.LBB2_2:
0x2e: {  	s23 =	smul.u32 $0xAB, s22;
	_ =	sdelay $0x1  }
0x2f: {  	s23 =	sshrl.u32 s23, $0x9  }
0x30: {  	s23 =	sand.u32 $0x7F, s23  }
0x31: {  	s23 =	smul.u32 $0x3, s23;
	_ =	sdelay $0x1  }
0x32: {  	s23 =	ssub.s32 s22, s23  }
0x33: {  	s23 =	sand.u32 $0xFF, s23  }
0x34: {  	p0 =	sne.s32 s23, $0x0  }
.Ltmp4:
0x35: {  	_ = 	snop;
	(pc) =	sbr.rel @!p0 .LBB2_3-.Ltmp4, $1  }
0x36: {  	_ =	sdelay $0x3  }
0x37: {  	p0 =	sne.s32 s23, $0x1  }
.Ltmp5:
0x38: {  	_ = 	snop;
	(pc) =	sbr.rel @p0 .LBB2_7-.Ltmp5, $4  }
0x39: {  	_ = 	snop  }
0x3a: {  	_ =	swait.ge [sflag:s16], $0x2000  }
0x3b: {  	[sflag:s16] =	ssyncset.done $0x0  }
0x3c: {  	[sflag:s16] =	ssyncadd.s32 $0xFFFFE000  }
0x3d: {  	[spmem:s2] =	stream.indirect.scatter.add.f32 [tilespmem:s15], [sflag:$0x2], $0x40, s20, s13, $0xb8;
	[tilespmem:$0x14E00] =	vst v63  }
0x3e: {  	p0 =	slt.u32 s22, $0x4E  }
.Ltmp6:
0x3f: {  	_ = 	snop;
	(pc) =	sbr.rel @p0 .LBB2_8-.Ltmp6, $4  }
.Ltmp7:
0x40: {  	_ = 	snop;
	(pc) =	sbr.rel @!p0 .LBB2_9-.Ltmp7, $4  }
0x41: {  	_ =	swait.ge [sflag:s18], $0x2000  }
0x42: {  	[sflag:s18] =	ssyncset.done $0x0  }
0x43: {  	s23 =	simm.s32 $0x5000;
	[sflag:s18] =	ssyncadd.s32 $0xFFFFE000  }
0x44: {  	_ = 	snop  }
.LBB2_3:
0x45: {  	p0 =	seq.s32 s22, $0x0  }
0x46: {  	_ =	swait.ge [sflag:s16], $0x2000;
	p1 =	slt.u32 @!p0 s22, $0x4E  }
0x47: {  	[sflag:s16] =	ssyncset.done $0x0;
	p1 =	por p0, p1  }
.Ltmp8:
0x48: {  	s23 =	simm.s32 @!p0 $0x2;
	[sflag:s16] =	ssyncadd.s32 $0xFFFFE000;
	(pc) =	sbr.rel @!p1 .LBB2_9-.Ltmp8, $4  }
0x49: {  	[spmem:s2] =	stream.indirect.scatter.add.f32 [tilespmem:s14], [sflag:$0x2], $0x40, s20, s13, $0xb8;
	[tilespmem:$0x14E00] =	vst v63  }
0x4a: {  	_ =	swait.ge @!p0 [sflag:s23], $0x2000  }
0x4b: {  	[sflag:s23] =	ssyncset.done @!p0 $0x0  }
0x4c: {  	[sflag:s23] =	ssyncadd.s32 @!p0 $0xFFFFE000  }
.Ltmp9:
0x4d: {  	(pc) =	sbr.rel .LBB2_8-.Ltmp9, $3  }
0x4e: {  	_ =	sdelay $0x1  }
0x4f: {  	s23 =	simm.s32 @!p0 $0x9000  }
0x50: {  	s23 =	simm.s32 @p0 $0x9000  }
.LBB2_7:
0x51: {  	[spmem:s2] =	stream.indirect.scatter.add.f32 [tilespmem:s17], [sflag:$0x2], $0x40, s20, s13, $0xb8;
	[tilespmem:$0x14E00] =	vst v63  }
0x52: {  	p0 =	sgt.u32 s22, $0x4D  }
.Ltmp10:
0x53: {  	_ = 	snop;
	(pc) =	sbr.rel @p0 .LBB2_9-.Ltmp10, $4  }
.Ltmp11:
0x54: {  	_ = 	snop;
	(pc) =	sbr.rel @!p0 .LBB2_8-.Ltmp11, $4  }
0x55: {  	_ =	swait.ge [sflag:s18], $0x2000  }
0x56: {  	[sflag:s18] =	ssyncset.done $0x0  }
0x57: {  	s23 =	simm.s32 $0x7000;
	[sflag:s18] =	ssyncadd.s32 $0xFFFFE000  }
0x58: {  	_ = 	snop  }
.LBB2_11:
0x59: {  	_ =	sfence.sel $0x180000  }
0x5a: {  	[bflag:$0x0] =	sbarrier.arrive $0xFFFF  }
0x5b: {  	p0 =	sne.s32 s0, $0x0;
	_ =	strace $0x9000004D  }
0x5c: {  	s0 =	sadd.s32 @!p0 $0x100000, s1;
	[bflag:$0x2] =	sbarrier.arrive $0xFFFF  }
0x5d: {  	[sflag:s0] =	ssyncadd.tile.s32 @!p0 $0x1;
	_ =	shalt  }
.Lfunc_end2:
_tile_overlayer_lowered:
.L_overlay_start_2:
0x5e: {  	(tag) =	ssettag $0x2  }
0x5f: {  	s0 =	rddreg [dreg:$0x0];
	s2 =	stileid.u32  }
0x60: {  	s1 =	rddreg [dreg:$0x1];
	p0 =	sne.s32 s2, $0x0  }
0x61: {  	s3 =	rddreg [dreg:$0x2];
	[bflag:$0x3] =	sbarrier.arrive $0xFFFF;
	s2 =	simm.s32 @!p0 $0x1C03  }
0x62: {  	[timem:s3], [sflag:s2] =	dma.local @!p0 [hbm:s0], s1  }
0x63: {  	s0 =	simm.s32 @!p0 $0x3  }
0x64: {  	_ =	swait.ge @!p0 [sflag:s0], s1  }
0x65: {  	s1 =	ssub.s32 @!p0 $0x0, s1;
	[sflag:s0] =	ssyncset.done @!p0 $0x0  }
0x66: {  	[sflag:s0] =	ssyncadd.s32 @!p0 s1  }
0x67: {  	[bflag:$0x3] =	sbarrier.arrive $0xFFFF  }
0x68: {  	_ =	shalt  }

// kernel: kernel.8.cloned.1.call-start
scs
__scs_entry_jumppad:
0x0: {  	(pc) =	sbr.rel $0x88, $3  }
0x1: {  	(tag) =	ssettag $0x0;
	lr =	simm.s32 $0x1  }
0x2: {  	[smem:$0x3F96] =	sst lr;
	_ =	strace $0xD0000000  }
0x3: {  	_ = 	snop  }
0x4: {  	_ = 	snop  }
0x5: {  	_ = 	snop  }
0x6: {  	_ = 	snop  }
0x7: {  	_ = 	snop  }
__scs_overlays_trampoline_lowered:
0x8: {  	[smem:$0x3FA5] =	sst s0  }
0x9: {  	[smem:$0x3FA6] =	sst s1  }
0xa: {  	[smem:$0x3FA7] =	sst s2  }
0xb: {  	[smem:$0x3FA8] =	sst s3  }
0xc: {  	[smem:$0x3FA9] =	sst s4  }
0xd: {  	[smem:$0x3FAA] =	sst s5  }
0xe: {  	[smem:$0x3FAB] =	sst s6  }
0xf: {  	[smem:$0x3FAC] =	sst s7  }
0x10: {  	[smem:$0x3FAD] =	sst s8  }
0x11: {  	[smem:$0x3FAE] =	sst s9;
	s0 =	simm.s32 @!p0 $0x0  }
0x12: {  	s1 =	sld [smem:$0x3F94];
	s0 =	simm.s32 @p0 $0x1  }
0x13: {  	[smem:$0x3FAF] =	sst s0;
	s0 =	simm.s32 @!p1 $0x0  }
0x14: {  	s2 =	sld [smem:$0x3F93];
	s0 =	simm.s32 @p1 $0x1  }
0x15: {  	[smem:$0x3FB0] =	sst s0;
	s0 =	simm.s32 @!p2 $0x0  }
0x16: {  	s3 =	sld [smem:$0x3FDB];
	s0 =	simm.s32 @p2 $0x1  }
0x17: {  	s4 =	simm.s32 $0x1BF5;
	[smem:$0x3FB2] =	sst s0  }
0x18: {  	s0 =	sld [smem:$0x3F95];
	_ =	swait.ge [sflag:s4], $0x0  }
0x19: {  	s7 =	sld [smem:$0x3F96]  }
0x1a: {  	s8 =	sadd.s32 $0xFFFFE003, lr  }
0x1b: {  	s9 =	sadd.s32 $0xFFFFFEF7, lr;
	s5 =	simm.s32 $0xFFFFFFFF;
	p2 =	slt.u32 s8, $0xFFFFF086  }
0x1c: {  	p1 =	slt.u32 s9, $0xF7A;
	s5 =	simm.s32 @!p2 $0x0  }
0x1d: {  	s5 =	simm.s32 @p1 $0x1;
	p0 =	seq.s32 s7, s2  }
0x1e: {  	s7 =	smul.u32 @!p0 $0xF7A, s2;
	p2 =	seq.s32 @!p0 s5, $0x0  }
0x1f: {  	s9 =	smul.u32 $0xF7A, s1;
	s8 =	simm.s32 @!p0 $0x1BF5;
	p2 =	por !p2, p0  }
0x20: {  	[sflag:s8] =	ssyncset.s32 @!p0 $0xFFFFF086;
	s6 =	sadd.s32 @!p0 s3, s7;
	s7 =	simm.s32 @!p0 $0x108  }
0x21: {  	s3 =	sadd.s32 s3, s9;
	s6 =	sadd.s32 @!p0 $0x88, s6;
	s7 =	simm.s32 @p2 $0x1082  }
0x22: {  	[simem:s7], [sflag:s8] =	dma.local @!p0 [hbm:s6], $0xF7A  }
0x23: {  	s9 =	sor.u32 $0xD0000000, s2;
	s6 =	simm.s32 $0x108;
	_ =	swait.ge @!p0 [sflag:s8], $0x0  }
0x24: {  	s3 =	sadd.s32 $0x88, s3;
	s6 =	simm.s32 @!p1 $0x1082;
	[sflag:s4] =	ssyncset.s32 $0xFFFFF086  }
0x25: {  	[simem:s6], [sflag:s4] =	dma.local [hbm:s3], $0xF7A  }
0x26: {  	[smem:$0x3F96] =	sst s1;
	(tag) =	ssettag s2;
	_ =	strace s9  }
0x27: {  	s1 =	sld [smem:$0x3FA6]  }
0x28: {  	s2 =	sld [smem:$0x3FA7]  }
0x29: {  	s4 =	sld [smem:$0x3FA9]  }
0x2a: {  	p0 =	seq.s32 s5, $0x0;
	s5 =	sld [smem:$0x3FAA]  }
0x2b: {  	s6 =	sld [smem:$0x3FAB]  }
0x2c: {  	s7 =	sld [smem:$0x3FAC]  }
0x2d: {  	s3 =	simm.s32 $0x108;
	s8 =	sld [smem:$0x3FAD]  }
0x2e: {  	s3 =	simm.s32 @!p0 $0x1082;
	s9 =	sld [smem:$0x3FAE]  }
0x2f: {  	lr =	sadd.s32 s0, s3;
	s0 =	sld [smem:$0x3FA5]  }
0x30: {  	s3 =	sld [smem:$0x3FA8]  }
0x31: {  	[smem:$0x3FB1] =	sst s10  }
0x32: {  	s10 =	sld [smem:$0x3FAF];
	_ =	sdelay $0x3  }
0x33: {  	p0 =	seq.s32 s10, $0x1;
	s10 =	sld [smem:$0x3FB1];
	_ =	sdelay $0x3  }
0x34: {  	[smem:$0x3FB1] =	sst s10  }
0x35: {  	s10 =	sld [smem:$0x3FB0];
	_ =	sdelay $0x3  }
0x36: {  	p1 =	seq.s32 s10, $0x1;
	s10 =	sld [smem:$0x3FB1];
	_ =	sdelay $0x3  }
0x37: {  	[smem:$0x3FB1] =	sst s10  }
0x38: {  	s10 =	sld [smem:$0x3FB2]  }
0x39: {  	_ = 	snop;
	(pc) =	sbr.ind lr, $3  }
0x3a: {  	_ = 	snop  }
0x3b: {  	_ = 	snop  }
0x3c: {  	p2 =	seq.s32 s10, $0x1;
	s10 =	sld [smem:$0x3FB1]  }
0x3d: {  	_ =	shalt  }
0x3e: {  	_ =	shalt  }
0x3f: {  	_ =	shalt  }
0x40: {  	_ =	shalt  }
0x41: {  	_ =	shalt  }
0x42: {  	_ =	shalt  }
0x43: {  	_ =	shalt  }
0x44: {  	_ =	shalt  }
0x45: {  	_ =	shalt  }
0x46: {  	_ =	shalt  }
0x47: {  	_ =	shalt  }
0x48: {  	_ =	shalt  }
0x49: {  	_ =	shalt  }
0x4a: {  	_ =	shalt  }
0x4b: {  	_ =	shalt  }
0x4c: {  	_ =	shalt  }
0x4d: {  	_ =	shalt  }
0x4e: {  	_ =	shalt  }
0x4f: {  	_ =	shalt  }
0x50: {  	_ =	shalt  }
0x51: {  	_ =	shalt  }
0x52: {  	_ =	shalt  }
0x53: {  	_ =	shalt  }
0x54: {  	_ =	shalt  }
0x55: {  	_ =	shalt  }
0x56: {  	_ =	shalt  }
0x57: {  	_ =	shalt  }
0x58: {  	_ =	shalt  }
0x59: {  	_ =	shalt  }
0x5a: {  	_ =	shalt  }
0x5b: {  	_ =	shalt  }
0x5c: {  	_ =	shalt  }
0x5d: {  	_ =	shalt  }
0x5e: {  	_ =	shalt  }
0x5f: {  	_ =	shalt  }
0x60: {  	_ =	shalt  }
0x61: {  	_ =	shalt  }
0x62: {  	_ =	shalt  }
0x63: {  	_ =	shalt  }
0x64: {  	_ =	shalt  }
0x65: {  	_ =	shalt  }
0x66: {  	_ =	shalt  }
0x67: {  	_ =	shalt  }
0x68: {  	_ =	shalt  }
0x69: {  	_ =	shalt  }
0x6a: {  	_ =	shalt  }
0x6b: {  	_ =	shalt  }
0x6c: {  	_ =	shalt  }
0x6d: {  	_ =	shalt  }
0x6e: {  	_ =	shalt  }
0x6f: {  	_ =	shalt  }
0x70: {  	_ =	shalt  }
0x71: {  	_ =	shalt  }
0x72: {  	_ =	shalt  }
0x73: {  	_ =	shalt  }
0x74: {  	_ =	shalt  }
0x75: {  	_ =	shalt  }
0x76: {  	_ =	shalt  }
0x77: {  	_ =	shalt  }
0x78: {  	_ =	shalt  }
0x79: {  	_ =	shalt  }
0x7a: {  	_ =	shalt  }
0x7b: {  	_ =	shalt  }
0x7c: {  	_ =	shalt  }
0x7d: {  	_ =	shalt  }
0x7e: {  	_ =	shalt  }
0x7f: {  	_ =	shalt  }
0x80: {  	_ =	shalt  }
0x81: {  	_ =	shalt  }
0x82: {  	_ =	shalt  }
0x83: {  	_ =	shalt  }
0x84: {  	_ =	shalt  }
0x85: {  	_ =	shalt  }
0x86: {  	_ =	shalt  }
0x87: {  	_ =	shalt  }
.Lfunc_end0:
.L_simem_size_0:
called_computation_lowered:
.L_overlay_start_0:
0x88: {  	s2 =	sld [smem:$0x3FD9]  }
0x89: {  	s3 =	sld [smem:$0x3FFE];
	_ =	sdelay $0x1  }
0x8a: {  	s1 =	srdreg.scid  }
0x8b: {  	s0 =	sand.u32 $0x1, s1  }
0x8c: {  	s17 =	sshll.u32 s0, $0xA;
	s2 =	sadd.s32 s3, s2  }
0x8d: {  	s2 =	sadd.s32 s2, s17  }
0x8e: {  	[smem:$0x3FBD] =	sst s2  }
0x8f: {  	_ = 	snop  }
0x90: {  	s2 =	sld [smem:$0x3FD0];
	(tm) =	ssettm $0x1  }
0x91: {  	s18 =	sld [smem:$0x3FFB];
	_ =	sdelay $0x3  }
0x92: {  	_ =	strace s18  }
0x93: {  	s3 =	sld [smem:$0x3FFC];
	_ =	sdelay $0x3  }
0x94: {  	_ =	strace s3  }
0x95: {  	s3 =	sld [smem:$0x3FFD];
	_ =	sdelay $0x3  }
0x96: {  	_ =	strace s3  }
0x97: {  	_ =	strace $0x8FFFFFFF  }
0x98: {  	s19 =	sld [smem:$0x3FDB];
	_ =	sdelay $0x1  }
0x99: {  	s4 =	simm.s32 $_scs_section_size  }
0x9a: {  	s5 =	simm.s32 $_size__tile_overlayer_lowered;
	s6 =	simm.s32 $_tile_overlayer_lowered  }
0x9b: {  	s22 =	simm.s32 $0x1BFF;
	s21 =	sshll.u32 s6, $0x1;
	s3 =	sadd.s32 s4, s19  }
0x9c: {  	s7 =	simm.s32 $0x0;
	s20 =	sshll.u32 s5, $0x1;
	s5 =	sadd.s32 s21, s3  }
0x9d: {  	[timem:s7], [sflag:s22] =	dma.local [hbm:s5], s20  }
0x9e: {  	_ =	swait.ge [sflag:s22], s20  }
0x9f: {  	s4 =	ssub.s32 $0x0, s20;
	[sflag:s22] =	ssyncset.done $0x0  }
0xa0: {  	[sflag:s22] =	ssyncadd.s32 s4;
	_ =	sdelay $0x1  }
0xa1: {  	s23 =	simm.s32 $0x1B8B  }
0xa2: {  	_ =	swait.ge [sflag:s23], $0x1  }
0xa3: {  	[sflag:s23] =	ssyncset.done $0x0  }
0xa4: {  	s25 =	simm.s32 $0x1B8E;
	s24 =	sld [smem:$0x3FFE];
	[sflag:s23] =	ssyncadd.s32 $0xFFFFFFFF  }
0xa5: {  	s26 =	simm.s32 $execute0_lowered;
	[smem:$0x3FD2] =	sst s25  }
0xa6: {  	s5 =	sshll.u32 s26, $0x1;
	_ =	strace $0x80000046;
	[dreg:$0x1] =	wrdreg $0xFFFFFFFF  }
0xa7: {  	s28 =	simm.s32 $_size_execute0_lowered;
	s3 =	sadd.s32 s3, s5;
	[dreg:$0x0] =	wrdreg $0x0  }
0xa8: {  	s5 =	sshll.u32 s28, $0x1;
	[dreg:$0x2] =	wrdreg s3  }
0xa9: {  	[dreg:$0x3] =	wrdreg s5  }
0xaa: {  	[dreg:$0x4] =	wrdreg $0xC0  }
0xab: {  	_ =	task [dreg:s7], $0x5FFFF  }
0xac: {  	[dreg:$0x1] =	wrdreg $0xFFFFFFFF  }
0xad: {  	[dreg:$0x0] =	wrdreg $0x60  }
0xae: {  	[dreg:$0x2] =	wrdreg s24  }
0xaf: {  	[dreg:$0x3] =	wrdreg s2  }
0xb0: {  	[dreg:$0x4] =	wrdreg $0x2C000  }
0xb1: {  	[dreg:$0x5] =	wrdreg $0x9  }
0xb2: {  	_ =	task.clear_ibuf [dreg:s7], $0x6FFFF;
	_ =	strace $0x90000046  }
0xb3: {  	s29 =	simm.s32 $0x9;
	_ =	strace $0x80000048  }
0xb4: {  	_ =	swait.ge [sflag:s29], $0x1  }
0xb5: {  	[sflag:s29] =	ssyncadd.s32 $0xFFFFFFFF  }
0xb6: {  	_ =	strace $0x90000048  }
0xb7: {  	_ =	sfence  }
0xb8: {  	s30 =	sld [smem:$0x0];
	_ =	sdelay $0x2  }
0xb9: {  	s31 =	sshll.u32 s1, $0xD;
	s1 =	sshrl.u32 s1, $0x2  }
0xba: {  	s3 =	sand.u32 $0x4000, s31;
	s1 =	sadd.s32 s1, s30  }
0xbb: {  	s0 =	sor.u32 s3, s0;
	s1 =	sshll.u32 s1, $0x11  }
0xbc: {  	s0 =	sor.u32 s1, s0  }
0xbd: {  	s0 =	sadd.s32 $0x8F2B, s0  }
0xbe: {  	[sflag:s0] =	ssyncadd.remote.s32 $0x1  }
0xbf: {  	_ =	sfence.sel $0xFFFF  }
0xc0: {  	[dreg:$0x0] =	wrdreg $0xFFFFFFFF;
	(pc) =	sbr.abs _section_cstart, $3  }
0xc1: {  	[dreg:$0x1] =	wrdreg $0xFFFFFFFF  }
0xc2: {  	_ =	task.clear_ibuf [dreg:s7], $0x2FFFF;
	_ =	strace $0x9FFFFFFF  }
0xc3: {  	(tm) =	ssettm $0x7FFFFFFF  }
tec
execute0_lowered:
.L_overlay_start_1:
0x0: {  	(tag) =	ssettag $0x1  }
0x1: {  	s5 =	rddreg [dreg:$0x0]  }
0x2: {  	s1 =	srdreg.scid;
	s2 =	rddreg [dreg:$0x1]  }
0x3: {  	s0 =	stileid.u32;
	s3 =	rddreg [dreg:$0x2];
	s4 =	simm.s32 $0x0  }
0x4: {  	s13 =	simm.s32 $0x80;
	s14 =	simm.s32 $0x0;
	s6 =	sand.u32 $0x1, s1  }
0x5: {  	s30 =	sshll.u32 s0, $0x1;
	s8 =	smul.u32 $0x13C0, s0;
	[smem:$0x7FF] =	sst s4  }
0x6: {  	s31 =	sshll.u32 s0, $0x6;
	s1 =	sor.u32 s6, s30;
	s9 =	smul.u32 $0x13C00, s6  }
0x7: {  	s6 =	ssub.s32 $0x2, s6;
	s7 =	smul.u32 $0x500, s1;
	s1 =	rddreg [dreg:$0x3]  }
0x8: {  	_ =	strace $0x80000047;
	s10 =	sshrl.u32 s8, $0x3;
	s11 =	sshrl.u32 s6, $0x1  }
0x9: {  	s12 =	sadd.s32 s8, s3;
	s9 =	sadd.s32 s8, s9;
	s10 =	sadd.s32 s10, s5  }
0xa: {  	s11 =	ssub.s32 s6, s11;
	s6 =	sor.u32 $0x1C01, s31;
	s9 =	sshrl.u32 s9, $0x3  }
0xb: {  	s7 =	sadd.s32 s7, s5;
	s9 =	sadd.s32 s9, s5;
	s5 =	sadd.s32 $0x2000, s10  }
0xc: {  	s7 =	sadd.s32 $0x4800, s7;
	s10 =	sshrl.u32 s12, $0x3;
	s12 =	simm.s32 $0x2800  }
0xd: {  	s8 =	sadd.s32 $0xE800, s9;
	s9 =	smax.u32 s11, $0x1;
	s11 =	simm.s32 $0x1  }
.LBB2_1:
0xe: {  	[spmem:s10], [sflag:s6] =	dma.local [hbm:s5], $0x278  }
0xf: {  	_ =	swait.ge [sflag:s11], $0x278  }
0x10: {  	[sflag:s11] =	ssyncset.done $0x0  }
0x11: {  	[sflag:s11] =	ssyncadd.s32 $0xFFFFFD88  }
0x12: {  	[tilespmem:s4], [sflag:$0x1] =	stream.linear.gather [hbm4b:s7+s4], $0x2800, $0x38;
	[tilespmem:$0x2E78] =	vst v63  }
0x13: {  	_ =	swait.ge [sflag:s11], $0x2800  }
0x14: {  	[sflag:s11] =	ssyncset.done $0x0  }
0x15: {  	[sflag:s11] =	ssyncadd.s32 $0xFFFFD800  }
0x16: {  	[tilespmem:s12], [sflag:$0x1] =	stream.linear.gather [hbm4b:s2+s4], $0x400, $0x38;
	[tilespmem:$0x2E78] =	vst v63  }
0x17: {  	_ =	swait.ge [sflag:s11], $0x400  }
0x18: {  	[sflag:s11] =	ssyncset.done $0x0  }
0x19: {  	[sflag:s11] =	ssyncadd.s32 $0xFFFFFC00  }
0x1a: {  	s15 =	simm.s32 $0x0;
	[bflag:$0x0] =	sbarrier.arrive $0xFFFF  }
0x1b: {  	[spmem:s3] =	stream.indirect.scatter.add.f32 [tilespmem:s12], [sflag:$0x1], $0x1, s15, s13, $0xb8;
	[tilespmem:$0x2E78] =	vst v63  }
0x1c: {  	_ =	swait.ge [sflag:s11], $0x80  }
0x1d: {  	s15 =	simm.s32 $0x200;
	[sflag:s11] =	ssyncset.done $0x0  }
.LBB2_2:
0x1e: {  	s16 =	sshra.s32 s15, $0x2;
	[sflag:s11] =	ssyncadd.s32 $0xFFFFFF80;
	p0 =	sne.s32 s15, $0x9E00  }
0x1f: {  	[spmem:s3] =	stream.indirect.scatter.add.f32 [tilespmem:s12], [sflag:$0x1], $0x1, s16, s13, $0xb8;
	[tilespmem:$0x2E78] =	vst v63  }
.Ltmp0:
0x20: {  	_ = 	snop;
	(pc) =	sbr.rel @p0 .LBB2_2-.Ltmp0, $4  }
0x21: {  	_ = 	snop  }
0x22: {  	s15 =	sadd.s32 $0x200, s15  }
0x23: {  	_ =	swait.ge [sflag:s11], $0x80  }
0x24: {  	[sflag:s11] =	ssyncset.done $0x0  }
0x25: {  	s14 =	sadd.s32 $0x1, s14  }
0x26: {  	[sflag:s11] =	ssyncadd.s32 $0xFFFFFF80;
	p0 =	sne.s32 s14, s9  }
.Ltmp1:
0x27: {  	[bflag:$0x0] =	sbarrier.arrive $0xFFFF;
	(pc) =	sbr.rel @p0 .LBB2_1-.Ltmp1, $4  }
0x28: {  	[hbm:s8], [sflag:s6] =	dma.local [spmem:s10], $0x278  }
0x29: {  	_ =	swait.ge [sflag:s11], $0x278  }
0x2a: {  	[sflag:s11] =	ssyncset.done $0x0  }
0x2b: {  	[sflag:s11] =	ssyncadd.s32 $0xFFFFFD88  }
0x2c: {  	_ =	sfence.sel $0x180000  }
0x2d: {  	[bflag:$0x0] =	sbarrier.arrive $0xFFFF  }
0x2e: {  	p0 =	sne.s32 s0, $0x0;
	_ =	strace $0x90000047  }
0x2f: {  	s0 =	sadd.s32 @!p0 $0x100000, s1;
	[bflag:$0x2] =	sbarrier.arrive $0xFFFF  }
0x30: {  	[sflag:s0] =	ssyncadd.tile.s32 @!p0 $0x1;
	_ =	shalt  }
.Lfunc_end2:
_tile_overlayer_lowered:
.L_overlay_start_2:
0x31: {  	(tag) =	ssettag $0x2  }
0x32: {  	s0 =	rddreg [dreg:$0x0];
	s2 =	stileid.u32  }
0x33: {  	s1 =	rddreg [dreg:$0x1];
	p0 =	sne.s32 s2, $0x0  }
0x34: {  	s3 =	rddreg [dreg:$0x2];
	[bflag:$0x3] =	sbarrier.arrive $0xFFFF;
	s2 =	simm.s32 @!p0 $0x1C01  }
0x35: {  	[timem:s3], [sflag:s2] =	dma.local @!p0 [hbm:s0], s1  }
0x36: {  	s0 =	simm.s32 @!p0 $0x1  }
0x37: {  	_ =	swait.ge @!p0 [sflag:s0], s1  }
0x38: {  	s1 =	ssub.s32 @!p0 $0x0, s1;
	[sflag:s0] =	ssyncset.done @!p0 $0x0  }
0x39: {  	[sflag:s0] =	ssyncadd.s32 @!p0 s1  }
0x3a: {  	[bflag:$0x3] =	sbarrier.arrive $0xFFFF  }
0x3b: {  	_ =	shalt  }

</sc_bundles>
